<compile_context>
chip_gen: v7x
topology: tpu7x:2x2x1
jax: 0.10.2.dev20260603
libtpu: 0.0.44.dev20260713+nightly
codegen_flags: <defaults>
</compile_context>

<pallas_src>
import dataclasses
import functools

import jax
import jax.numpy as jnp
from jax import lax
from jax.experimental import pallas as pl
from jax.experimental.pallas import tpu as pltpu
from jax.experimental.pallas import tpu_sc as plsc

N = 10000
E = 320000
D = 128

NCORE = 2
NSUB = 16
CHUNK = 128
SUP = 4
NSUP = 40
CPS = SUP * NSUP
EPS = CPS * CHUNK
EPAD = EPS * NSUB
ROWS_PER_SUB = 624
REM_ROWS = N - ROWS_PER_SUB * NSUB


def _mm_body(x_ref, w_ref, wdc_ref, wdd_ref, t_ref):
    xb = x_ref[...]
    w = w_ref[...]
    t_ref[0] = jnp.dot(xb, w + wdc_ref[...], preferred_element_type=jnp.float32)
    t_ref[1] = jnp.dot(xb, w + wdd_ref[...], preferred_element_type=jnp.float32)


def _combine_body(p_ref, x_ref, w_ref, o_ref):
    c = jnp.dot(x_ref[...], w_ref[...], preferred_element_type=jnp.float32)
    o_ref[...] = (p_ref[0] + p_ref[1] - c) * jnp.float32(1.0 / 3.0)


def _sc_spmm_body(t_hbm, idx_hbm, out_hbm,
                  ibuf, gbuf0, gbuf1, gbuf2, acc,
                  gsem0, gsem1, gsem2, ssem0, ssem1, ssem2):
    c = lax.axis_index("c")
    s = lax.axis_index("s")
    gbufs = (gbuf0, gbuf1, gbuf2)
    gsems = (gsem0, gsem1, gsem2)
    ssems = (ssem0, ssem1, ssem2)

    zeros16 = jnp.zeros((16,), jnp.float32)

    @pl.loop(0, CHUNK)
    def _(b):
        for g in range(D // 16):
            gbuf0[b, pl.ds(g * 16, 16)] = zeros16

    base = s * ROWS_PER_SUB
    for k in range(ROWS_PER_SUB // CHUNK):
        pltpu.sync_copy(gbuf0, acc.at[pl.ds(base + k * CHUNK, CHUNK)])
    rem = ROWS_PER_SUB % CHUNK
    if rem:
        pltpu.sync_copy(gbuf0.at[pl.ds(0, rem)],
                        acc.at[pl.ds(base + (ROWS_PER_SUB // CHUNK) * CHUNK, rem)])

    @pl.when(s == NSUB - 1)
    def _():
        pltpu.sync_copy(gbuf0.at[pl.ds(0, REM_ROWS)],
                        acc.at[pl.ds(N - REM_ROWS, REM_ROWS)])

    plsc.subcore_barrier()

    @pl.loop(0, NSUP)
    def _(u):
        pltpu.sync_copy(idx_hbm.at[c, s, u], ibuf)

        gh = [None, None, None]
        sh = [None, None, None]
        gh[0] = pltpu.async_copy(t_hbm.at[ibuf.at[0, 0]], gbufs[0], gsems[0])
        gh[1] = pltpu.async_copy(t_hbm.at[ibuf.at[0, 1]], gbufs[1], gsems[1])
        for q in range(SUP):
            p = q % 3
            gh[p].wait()
            if q + 2 < SUP:
                nb = (q + 2) % 3
                if q >= 1:
                    sh[nb].wait()
                gh[nb] = pltpu.async_copy(
                    t_hbm.at[ibuf.at[0, q + 2]], gbufs[nb], gsems[nb])

            buf = gbufs[p]

            @plsc.parallel_loop(0, CHUNK, unroll=4)
            def _(b):
                vv = plsc.load_gather(
                    ibuf, [jnp.full((16,), 2, jnp.int32),
                           jnp.full((16,), q, jnp.int32),
                           jnp.full((16,), b, jnp.int32)])
                vv = plsc.bitcast(vv, jnp.float32)
                for g in range(D // 16):
                    sl = (b, pl.ds(g * 16, 16))
                    buf[sl] = buf[sl] * vv

            sh[p] = pltpu.async_copy(buf, acc.at[ibuf.at[1, q]], ssems[p],
                                     add=True)
        for p in range(min(3, SUP)):
            sh[(SUP - 1 - p) % 3].wait()

    plsc.subcore_barrier()
    pltpu.sync_copy(acc.at[pl.ds(base, ROWS_PER_SUB)],
                    out_hbm.at[c, pl.ds(base, ROWS_PER_SUB)])

    @pl.when(s == NSUB - 1)
    def _():
        pltpu.sync_copy(acc.at[pl.ds(N - REM_ROWS, REM_ROWS)],
                        out_hbm.at[c, pl.ds(N - REM_ROWS, REM_ROWS)])


_sc_compiler_params = pltpu.CompilerParams()
if "needs_layout_passes" in pltpu.CompilerParams.__dataclass_fields__:
    _sc_compiler_params = dataclasses.replace(
        _sc_compiler_params, needs_layout_passes=False)

_sc_spmm = functools.partial(
    pl.kernel,
    compiler_params=_sc_compiler_params,
    out_type=jax.ShapeDtypeStruct((NCORE, N, D), jnp.float32),
    mesh=plsc.VectorSubcoreMesh(core_axis_name="c", subcore_axis_name="s"),
    scratch_types=[
        pltpu.VMEM((3, SUP, CHUNK), jnp.int32),
        pltpu.VMEM((CHUNK, D), jnp.float32),
        pltpu.VMEM((CHUNK, D), jnp.float32),
        pltpu.VMEM((CHUNK, D), jnp.float32),
        pltpu.VMEM_SHARED((N, D), jnp.float32),
        pltpu.SemaphoreType.DMA,
        pltpu.SemaphoreType.DMA,
        pltpu.SemaphoreType.DMA,
        pltpu.SemaphoreType.DMA,
        pltpu.SemaphoreType.DMA,
        pltpu.SemaphoreType.DMA,
    ],
)(_sc_spmm_body)


def _pad_edges(idx, val, col_offset):
    pad = EPAD - E
    cols = jnp.concatenate([idx[1] + col_offset,
                            jnp.full((pad,), col_offset, jnp.int32)])
    rows = jnp.concatenate([idx[0], jnp.zeros((pad,), jnp.int32)])
    vals = jnp.concatenate([val, jnp.zeros((pad,), jnp.float32)])
    return cols, rows, vals


def kernel(input, adj0_index, adj0_val, adj1_index, adj1_val,
           weight, weight_dc, weight_dd):
    x = input
    blk = 1000
    nblk = N // blk

    t = pl.pallas_call(
        _mm_body,
        grid=(nblk,),
        in_specs=[
            pl.BlockSpec((blk, D), lambda i: (i, 0)),
            pl.BlockSpec((D, D), lambda i: (0, 0)),
            pl.BlockSpec((D, D), lambda i: (0, 0)),
            pl.BlockSpec((D, D), lambda i: (0, 0)),
        ],
        out_specs=pl.BlockSpec((NCORE, blk, D), lambda i: (0, i, 0)),
        out_shape=jax.ShapeDtypeStruct((NCORE, N, D), jnp.float32),
    )(x, weight, weight_dc, weight_dd)

    c0, r0, v0 = _pad_edges(adj0_index, adj0_val, 0)
    c1, r1, v1 = _pad_edges(adj1_index, adj1_val, N)
    cols = jnp.stack([c0, c1]).reshape(NCORE, NSUB, NSUP, 1, SUP, CHUNK)
    rows = jnp.stack([r0, r1]).reshape(NCORE, NSUB, NSUP, 1, SUP, CHUNK)
    vals = jax.lax.bitcast_convert_type(
        jnp.stack([v0, v1]), jnp.int32).reshape(NCORE, NSUB, NSUP, 1, SUP, CHUNK)
    idx = jnp.concatenate([cols, rows, vals], axis=3)

    partials = _sc_spmm(t.reshape(NCORE * N, D), idx)

    out = pl.pallas_call(
        _combine_body,
        grid=(nblk,),
        in_specs=[
            pl.BlockSpec((NCORE, blk, D), lambda i: (0, i, 0)),
            pl.BlockSpec((blk, D), lambda i: (i, 0)),
            pl.BlockSpec((D, D), lambda i: (0, 0)),
        ],
        out_specs=pl.BlockSpec((blk, D), lambda i: (i, 0)),
        out_shape=jax.ShapeDtypeStruct((N, D), jnp.float32),
    )(partials, x, weight)
    return out

# --- scband reference (transcript-rebuilt; emitter-appended) ---
"""Pipeline reference for scband-relational-graph-convolution-8761733284690 (READ-ONLY COPY).

The authoritative reference and input builder live on the scoring server;
editing this copy changes nothing except your own understanding.
"""

import jax, jax.numpy as jnp
import numpy as np

N = 10000
E = 320000
D_IN = 128
D_OUT = 128


def _xavier_uniform(key, fan_in, fan_out):
    lim = float(np.sqrt(6.0 / (fan_in + fan_out)))
    return jax.random.uniform(key, (fan_in, fan_out), minval=-lim, maxval=lim, dtype=jnp.float32)


def setup_inputs(seed: int = 0) -> dict:
    key = jax.random.key(seed)
    ks = jax.random.split(key, 8)
    x = jax.random.normal(ks[0], (N, D_IN), dtype=jnp.float32)
    adj0_index = jax.random.randint(ks[1], (2, E), 0, N, dtype=jnp.int32)
    adj0_val = jax.random.uniform(ks[2], (E,), dtype=jnp.float32)
    adj1_index = jax.random.randint(ks[3], (2, E), 0, N, dtype=jnp.int32)
    adj1_val = jax.random.uniform(ks[4], (E,), dtype=jnp.float32)
    weight = _xavier_uniform(ks[5], D_IN, D_OUT)
    weight_dc = _xavier_uniform(ks[6], D_IN, D_OUT)
    weight_dd = _xavier_uniform(ks[7], D_IN, D_OUT)
    return {
        'input': x,
        'adj0_index': adj0_index,
        'adj0_val': adj0_val,
        'adj1_index': adj1_index,
        'adj1_val': adj1_val,
        'weight': weight,
        'weight_dc': weight_dc,
        'weight_dd': weight_dd,
    }


def _spmm(idx, val, dense):
    # sparse (COO) matmul: out[i] = sum_j A[i, j] * dense[j]
    row = idx[0]
    col = idx[1]
    gathered = dense[col] * val[:, None]
    out = jnp.zeros((N, dense.shape[1]), dtype=dense.dtype).at[row].add(gathered)
    return out


def reference(input, adj0_index, adj0_val, adj1_index, adj1_val, weight, weight_dc, weight_dd):
    # dropout p=0.0 -> identity
    support = input @ weight
    # all_adj = adj0 + adj1 - I  =>  spmm(adj0) + spmm(adj1) - support
    output = _spmm(adj0_index, adj0_val, support) + _spmm(adj1_index, adj1_val, support) - support
    support_dc = input @ weight_dc
    output_dc = _spmm(adj0_index, adj0_val, support_dc)
    support_dd = input @ weight_dd
    output_dd = _spmm(adj1_index, adj1_val, support_dd)
    final_output = (output + output_dc + output_dd) / 3
    return final_output

if __name__ == "__main__":
    import jax
    _d = setup_inputs()
    print(jax.jit(kernel)(*tuple(_d.values())))

</pallas_src>

<mosaic_0001>
#map = affine_map<(d0, d1) -> (0, 0)>
#map1 = affine_map<(d0, d1) -> (0, 0, 0, 0, 0, 0)>
#map2 = affine_map<(d0, d1) -> (0, 0, 0)>
module attributes {stable_mosaic.version = 14 : i64} {
  func.func @_sc_spmm_body(%arg0: i32, %arg1: i32, %arg2: memref<20000x128xf32, #tpu.memory_space<hbm>>, %arg3: memref<2x16x40x3x4x128xi32, #tpu.memory_space<hbm>>, %arg4: memref<2x10000x128xf32, #tpu.memory_space<hbm>>, %arg5: memref<3x4x128xi32, #tpu.memory_space<vmem>>, %arg6: memref<128x128xf32, #tpu.memory_space<vmem>>, %arg7: memref<128x128xf32, #tpu.memory_space<vmem>>, %arg8: memref<128x128xf32, #tpu.memory_space<vmem>>, %arg9: memref<10000x128xf32, #tpu.memory_space<vmem_shared>>, %arg10: memref<!tpu.dma_semaphore, #tpu.memory_space<semaphore_mem>>, %arg11: memref<!tpu.dma_semaphore, #tpu.memory_space<semaphore_mem>>, %arg12: memref<!tpu.dma_semaphore, #tpu.memory_space<semaphore_mem>>, %arg13: memref<!tpu.dma_semaphore, #tpu.memory_space<semaphore_mem>>, %arg14: memref<!tpu.dma_semaphore, #tpu.memory_space<semaphore_mem>>, %arg15: memref<!tpu.dma_semaphore, #tpu.memory_space<semaphore_mem>>) attributes {dimension_semantics = [#tpu.dimension_semantics<core_parallel>, #tpu.dimension_semantics<subcore_parallel>], iteration_bounds = array<i64: 2, 16>, scalar_prefetch = 0 : i64, scratch_operands = 11 : i64, tpu.core_type = #tpu.core_type<sc_vector_subcore>, window_params = [{transform_indices = #map}, {transform_indices = #map1}, {transform_indices = #map2}]} {
    %broadcast_in_dim3A = arith.constant 0.000000e+00 : f32
    %broadcast_in_dim3A_0 = vector.broadcast %broadcast_in_dim3A : f32 to vector<16xf32>
    %scan3A = arith.constant 0 : i32
    %scan3A_1 = arith.constant 128 : i32
    %scan3A_2 = arith.addi %scan3A, %scan3A_1 : i32
    %scan3A_3 = arith.constant 1 : i32
    scf.for %scan3A_28 = %scan3A to %scan3A_2 step %scan3A_3  : i32 {
      %mul3A_29 = arith.constant 1 : i32
      %mul3A_30 = arith.muli %scan3A_28, %mul3A_29 : i32
      %add3A_31 = arith.constant 0 : i32
      %add3A_32 = arith.addi %add3A_31, %mul3A_30 : i32
      %swap3A = arith.index_cast %add3A_32 : i32 to index
      %swap3A_33 = arith.constant 0 : index
      %swap3A_34 = tpu.vector_load %arg6[%swap3A, %swap3A_33] {strides = array<i32>} : memref<128x128xf32, #tpu.memory_space<vmem>>, vector<16xf32>,
      tpu.vector_store %arg6[%swap3A, %swap3A_33], %broadcast_in_dim3A_0 {strides = array<i32>} : memref<128x128xf32, #tpu.memory_space<vmem>>, vector<16xf32>,
      %swap3A_35 = arith.index_cast %add3A_32 : i32 to index
      %swap3A_36 = arith.constant 16 : index
      %swap3A_37 = tpu.vector_load %arg6[%swap3A_35, %swap3A_36] {strides = array<i32>} : memref<128x128xf32, #tpu.memory_space<vmem>>, vector<16xf32>,
      tpu.vector_store %arg6[%swap3A_35, %swap3A_36], %broadcast_in_dim3A_0 {strides = array<i32>} : memref<128x128xf32, #tpu.memory_space<vmem>>, vector<16xf32>,
      %swap3A_38 = arith.index_cast %add3A_32 : i32 to index
      %swap3A_39 = arith.constant 32 : index
      %swap3A_40 = tpu.vector_load %arg6[%swap3A_38, %swap3A_39] {strides = array<i32>} : memref<128x128xf32, #tpu.memory_space<vmem>>, vector<16xf32>,
      tpu.vector_store %arg6[%swap3A_38, %swap3A_39], %broadcast_in_dim3A_0 {strides = array<i32>} : memref<128x128xf32, #tpu.memory_space<vmem>>, vector<16xf32>,
      %swap3A_41 = arith.index_cast %add3A_32 : i32 to index
      %swap3A_42 = arith.constant 48 : index
      %swap3A_43 = tpu.vector_load %arg6[%swap3A_41, %swap3A_42] {strides = array<i32>} : memref<128x128xf32, #tpu.memory_space<vmem>>, vector<16xf32>,
      tpu.vector_store %arg6[%swap3A_41, %swap3A_42], %broadcast_in_dim3A_0 {strides = array<i32>} : memref<128x128xf32, #tpu.memory_space<vmem>>, vector<16xf32>,
      %swap3A_44 = arith.index_cast %add3A_32 : i32 to index
      %swap3A_45 = arith.constant 64 : index
      %swap3A_46 = tpu.vector_load %arg6[%swap3A_44, %swap3A_45] {strides = array<i32>} : memref<128x128xf32, #tpu.memory_space<vmem>>, vector<16xf32>,
      tpu.vector_store %arg6[%swap3A_44, %swap3A_45], %broadcast_in_dim3A_0 {strides = array<i32>} : memref<128x128xf32, #tpu.memory_space<vmem>>, vector<16xf32>,
      %swap3A_47 = arith.index_cast %add3A_32 : i32 to index
      %swap3A_48 = arith.constant 80 : index
      %swap3A_49 = tpu.vector_load %arg6[%swap3A_47, %swap3A_48] {strides = array<i32>} : memref<128x128xf32, #tpu.memory_space<vmem>>, vector<16xf32>,
      tpu.vector_store %arg6[%swap3A_47, %swap3A_48], %broadcast_in_dim3A_0 {strides = array<i32>} : memref<128x128xf32, #tpu.memory_space<vmem>>, vector<16xf32>,
      %swap3A_50 = arith.index_cast %add3A_32 : i32 to index
      %swap3A_51 = arith.constant 96 : index
      %swap3A_52 = tpu.vector_load %arg6[%swap3A_50, %swap3A_51] {strides = array<i32>} : memref<128x128xf32, #tpu.memory_space<vmem>>, vector<16xf32>,
      tpu.vector_store %arg6[%swap3A_50, %swap3A_51], %broadcast_in_dim3A_0 {strides = array<i32>} : memref<128x128xf32, #tpu.memory_space<vmem>>, vector<16xf32>,
      %swap3A_53 = arith.index_cast %add3A_32 : i32 to index
      %swap3A_54 = arith.constant 112 : index
      %swap3A_55 = tpu.vector_load %arg6[%swap3A_53, %swap3A_54] {strides = array<i32>} : memref<128x128xf32, #tpu.memory_space<vmem>>, vector<16xf32>,
      tpu.vector_store %arg6[%swap3A_53, %swap3A_54], %broadcast_in_dim3A_0 {strides = array<i32>} : memref<128x128xf32, #tpu.memory_space<vmem>>, vector<16xf32>,
    }
    %scan3A_4 = arith.constant 128 : i32
    %mul3A = arith.constant 624 : i32
    %mul3A_5 = arith.muli %arg1, %mul3A : i32
    %add3A = arith.constant 0 : i32
    %add3A_6 = arith.addi %mul3A_5, %add3A : i32
    "tpu.region"() ({
      %run_scoped3A = tpu.sem_alloc : memref<!tpu.dma_semaphore, #tpu.memory_space<semaphore_mem>>
      %dma_start3A = arith.constant 0 : i32
      %dma_start3A_28 = tpu.memref_slice %arg9[%add3A_6, %dma_start3A] : memref<10000x128xf32, #tpu.memory_space<vmem_shared>> -> memref<128x128xf32, #tpu.memory_space<vmem_shared>>
      %dma_start3A_29 = arith.constant 0 : i32
      %dma_start3A_30 = tpu.memref_slice %arg9[%add3A_6, %dma_start3A_29] : memref<10000x128xf32, #tpu.memory_space<vmem_shared>> -> memref<128x128xf32, #tpu.memory_space<vmem_shared>>
      tpu.enqueue_dma source(%arg6 : memref<128x128xf32, #tpu.memory_space<vmem>>) target(%dma_start3A_30 : memref<128x128xf32, #tpu.memory_space<vmem_shared>>) target_semaphore(%run_scoped3A : memref<!tpu.dma_semaphore, #tpu.memory_space<semaphore_mem>>)
      %dma_wait3A = arith.constant 0 : i32
      %dma_wait3A_31 = tpu.memref_slice %arg9[%add3A_6, %dma_wait3A] : memref<10000x128xf32, #tpu.memory_space<vmem_shared>> -> memref<128x128xf32, #tpu.memory_space<vmem_shared>>
      %dma_wait3A_32 = arith.constant 0 : i32
      %dma_wait3A_33 = tpu.memref_slice %arg9[%add3A_6, %dma_wait3A_32] : memref<10000x128xf32, #tpu.memory_space<vmem_shared>> -> memref<128x128xf32, #tpu.memory_space<vmem_shared>>
      tpu.wait_dma2 semaphore(%run_scoped3A : memref<!tpu.dma_semaphore, #tpu.memory_space<semaphore_mem>>) src(%arg6 : memref<128x128xf32, #tpu.memory_space<vmem>>) dst(%dma_wait3A_33 : memref<128x128xf32, #tpu.memory_space<vmem_shared>>)
      tpu.yield
    }) : () -> ()
    %add3A_7 = arith.constant 128 : i32
    %add3A_8 = arith.addi %mul3A_5, %add3A_7 : i32
    "tpu.region"() ({
      %run_scoped3A = tpu.sem_alloc : memref<!tpu.dma_semaphore, #tpu.memory_space<semaphore_mem>>
      %dma_start3A = arith.constant 0 : i32
      %dma_start3A_28 = tpu.memref_slice %arg9[%add3A_8, %dma_start3A] : memref<10000x128xf32, #tpu.memory_space<vmem_shared>> -> memref<128x128xf32, #tpu.memory_space<vmem_shared>>
      %dma_start3A_29 = arith.constant 0 : i32
      %dma_start3A_30 = tpu.memref_slice %arg9[%add3A_8, %dma_start3A_29] : memref<10000x128xf32, #tpu.memory_space<vmem_shared>> -> memref<128x128xf32, #tpu.memory_space<vmem_shared>>
      tpu.enqueue_dma source(%arg6 : memref<128x128xf32, #tpu.memory_space<vmem>>) target(%dma_start3A_30 : memref<128x128xf32, #tpu.memory_space<vmem_shared>>) target_semaphore(%run_scoped3A : memref<!tpu.dma_semaphore, #tpu.memory_space<semaphore_mem>>)
      %dma_wait3A = arith.constant 0 : i32
      %dma_wait3A_31 = tpu.memref_slice %arg9[%add3A_8, %dma_wait3A] : memref<10000x128xf32, #tpu.memory_space<vmem_shared>> -> memref<128x128xf32, #tpu.memory_space<vmem_shared>>
      %dma_wait3A_32 = arith.constant 0 : i32
      %dma_wait3A_33 = tpu.memref_slice %arg9[%add3A_8, %dma_wait3A_32] : memref<10000x128xf32, #tpu.memory_space<vmem_shared>> -> memref<128x128xf32, #tpu.memory_space<vmem_shared>>
      tpu.wait_dma2 semaphore(%run_scoped3A : memref<!tpu.dma_semaphore, #tpu.memory_space<semaphore_mem>>) src(%arg6 : memref<128x128xf32, #tpu.memory_space<vmem>>) dst(%dma_wait3A_33 : memref<128x128xf32, #tpu.memory_space<vmem_shared>>)
      tpu.yield
    }) : () -> ()
    %add3A_9 = arith.constant 256 : i32
    %add3A_10 = arith.addi %mul3A_5, %add3A_9 : i32
    "tpu.region"() ({
      %run_scoped3A = tpu.sem_alloc : memref<!tpu.dma_semaphore, #tpu.memory_space<semaphore_mem>>
      %dma_start3A = arith.constant 0 : i32
      %dma_start3A_28 = tpu.memref_slice %arg9[%add3A_10, %dma_start3A] : memref<10000x128xf32, #tpu.memory_space<vmem_shared>> -> memref<128x128xf32, #tpu.memory_space<vmem_shared>>
      %dma_start3A_29 = arith.constant 0 : i32
      %dma_start3A_30 = tpu.memref_slice %arg9[%add3A_10, %dma_start3A_29] : memref<10000x128xf32, #tpu.memory_space<vmem_shared>> -> memref<128x128xf32, #tpu.memory_space<vmem_shared>>
      tpu.enqueue_dma source(%arg6 : memref<128x128xf32, #tpu.memory_space<vmem>>) target(%dma_start3A_30 : memref<128x128xf32, #tpu.memory_space<vmem_shared>>) target_semaphore(%run_scoped3A : memref<!tpu.dma_semaphore, #tpu.memory_space<semaphore_mem>>)
      %dma_wait3A = arith.constant 0 : i32
      %dma_wait3A_31 = tpu.memref_slice %arg9[%add3A_10, %dma_wait3A] : memref<10000x128xf32, #tpu.memory_space<vmem_shared>> -> memref<128x128xf32, #tpu.memory_space<vmem_shared>>
      %dma_wait3A_32 = arith.constant 0 : i32
      %dma_wait3A_33 = tpu.memref_slice %arg9[%add3A_10, %dma_wait3A_32] : memref<10000x128xf32, #tpu.memory_space<vmem_shared>> -> memref<128x128xf32, #tpu.memory_space<vmem_shared>>
      tpu.wait_dma2 semaphore(%run_scoped3A : memref<!tpu.dma_semaphore, #tpu.memory_space<semaphore_mem>>) src(%arg6 : memref<128x128xf32, #tpu.memory_space<vmem>>) dst(%dma_wait3A_33 : memref<128x128xf32, #tpu.memory_space<vmem_shared>>)
      tpu.yield
    }) : () -> ()
    %add3A_11 = arith.constant 384 : i32
    %add3A_12 = arith.addi %mul3A_5, %add3A_11 : i32
    "tpu.region"() ({
      %run_scoped3A = tpu.sem_alloc : memref<!tpu.dma_semaphore, #tpu.memory_space<semaphore_mem>>
      %dma_start3A = arith.constant 0 : i32
      %dma_start3A_28 = tpu.memref_slice %arg9[%add3A_12, %dma_start3A] : memref<10000x128xf32, #tpu.memory_space<vmem_shared>> -> memref<128x128xf32, #tpu.memory_space<vmem_shared>>
      %dma_start3A_29 = arith.constant 0 : i32
      %dma_start3A_30 = tpu.memref_slice %arg9[%add3A_12, %dma_start3A_29] : memref<10000x128xf32, #tpu.memory_space<vmem_shared>> -> memref<128x128xf32, #tpu.memory_space<vmem_shared>>
      tpu.enqueue_dma source(%arg6 : memref<128x128xf32, #tpu.memory_space<vmem>>) target(%dma_start3A_30 : memref<128x128xf32, #tpu.memory_space<vmem_shared>>) target_semaphore(%run_scoped3A : memref<!tpu.dma_semaphore, #tpu.memory_space<semaphore_mem>>)
      %dma_wait3A = arith.constant 0 : i32
      %dma_wait3A_31 = tpu.memref_slice %arg9[%add3A_12, %dma_wait3A] : memref<10000x128xf32, #tpu.memory_space<vmem_shared>> -> memref<128x128xf32, #tpu.memory_space<vmem_shared>>
      %dma_wait3A_32 = arith.constant 0 : i32
      %dma_wait3A_33 = tpu.memref_slice %arg9[%add3A_12, %dma_wait3A_32] : memref<10000x128xf32, #tpu.memory_space<vmem_shared>> -> memref<128x128xf32, #tpu.memory_space<vmem_shared>>
      tpu.wait_dma2 semaphore(%run_scoped3A : memref<!tpu.dma_semaphore, #tpu.memory_space<semaphore_mem>>) src(%arg6 : memref<128x128xf32, #tpu.memory_space<vmem>>) dst(%dma_wait3A_33 : memref<128x128xf32, #tpu.memory_space<vmem_shared>>)
      tpu.yield
    }) : () -> ()
    %add3A_13 = arith.constant 512 : i32
    %add3A_14 = arith.addi %mul3A_5, %add3A_13 : i32
    "tpu.region"() ({
      %run_scoped3A = tpu.sem_alloc : memref<!tpu.dma_semaphore, #tpu.memory_space<semaphore_mem>>
      %dma_start3A = arith.constant 0 : i32
      %dma_start3A_28 = arith.constant 0 : i32
      %dma_start3A_29 = tpu.memref_slice %arg6[%dma_start3A, %dma_start3A_28] : memref<128x128xf32, #tpu.memory_space<vmem>> -> memref<112x128xf32, #tpu.memory_space<vmem>>
      %dma_start3A_30 = arith.constant 0 : i32
      %dma_start3A_31 = tpu.memref_slice %arg9[%add3A_14, %dma_start3A_30] : memref<10000x128xf32, #tpu.memory_space<vmem_shared>> -> memref<112x128xf32, #tpu.memory_space<vmem_shared>>
      %dma_start3A_32 = arith.constant 0 : i32
      %dma_start3A_33 = tpu.memref_slice %arg9[%add3A_14, %dma_start3A_32] : memref<10000x128xf32, #tpu.memory_space<vmem_shared>> -> memref<112x128xf32, #tpu.memory_space<vmem_shared>>
      %dma_start3A_34 = arith.constant 0 : i32
      %dma_start3A_35 = arith.constant 0 : i32
      %dma_start3A_36 = tpu.memref_slice %arg6[%dma_start3A_34, %dma_start3A_35] : memref<128x128xf32, #tpu.memory_space<vmem>> -> memref<112x128xf32, #tpu.memory_space<vmem>>
      tpu.enqueue_dma source(%dma_start3A_36 : memref<112x128xf32, #tpu.memory_space<vmem>>) target(%dma_start3A_33 : memref<112x128xf32, #tpu.memory_space<vmem_shared>>) target_semaphore(%run_scoped3A : memref<!tpu.dma_semaphore, #tpu.memory_space<semaphore_mem>>)
      %dma_wait3A = arith.constant 0 : i32
      %dma_wait3A_37 = arith.constant 0 : i32
      %dma_wait3A_38 = tpu.memref_slice %arg6[%dma_wait3A, %dma_wait3A_37] : memref<128x128xf32, #tpu.memory_space<vmem>> -> memref<112x128xf32, #tpu.memory_space<vmem>>
      %dma_wait3A_39 = arith.constant 0 : i32
      %dma_wait3A_40 = tpu.memref_slice %arg9[%add3A_14, %dma_wait3A_39] : memref<10000x128xf32, #tpu.memory_space<vmem_shared>> -> memref<112x128xf32, #tpu.memory_space<vmem_shared>>
      %dma_wait3A_41 = arith.constant 0 : i32
      %dma_wait3A_42 = tpu.memref_slice %arg9[%add3A_14, %dma_wait3A_41] : memref<10000x128xf32, #tpu.memory_space<vmem_shared>> -> memref<112x128xf32, #tpu.memory_space<vmem_shared>>
      %dma_wait3A_43 = arith.constant 0 : i32
      %dma_wait3A_44 = arith.constant 0 : i32
      %dma_wait3A_45 = tpu.memref_slice %arg6[%dma_wait3A_43, %dma_wait3A_44] : memref<128x128xf32, #tpu.memory_space<vmem>> -> memref<112x128xf32, #tpu.memory_space<vmem>>
      tpu.wait_dma2 semaphore(%run_scoped3A : memref<!tpu.dma_semaphore, #tpu.memory_space<semaphore_mem>>) src(%dma_wait3A_45 : memref<112x128xf32, #tpu.memory_space<vmem>>) dst(%dma_wait3A_42 : memref<112x128xf32, #tpu.memory_space<vmem_shared>>)
      tpu.yield
    }) : () -> ()
    %eq3A = arith.constant 15 : i32
    %eq3A_15 = arith.cmpi eq, %arg1, %eq3A : i32
    %convert_element_type3A = arith.extui %eq3A_15 : i1 to i32
    %cond3A = arith.constant 0 : i32
    %cond3A_16 = arith.cmpi ne, %convert_element_type3A, %cond3A : i32
    scf.if %cond3A_16 {
      "tpu.region"() ({
        %run_scoped3A = tpu.sem_alloc : memref<!tpu.dma_semaphore, #tpu.memory_space<semaphore_mem>>
        %dma_start3A = arith.constant 0 : i32
        %dma_start3A_28 = arith.constant 0 : i32
        %dma_start3A_29 = tpu.memref_slice %arg6[%dma_start3A, %dma_start3A_28] : memref<128x128xf32, #tpu.memory_space<vmem>> -> memref<16x128xf32, #tpu.memory_space<vmem>>
        %dma_start3A_30 = arith.constant 9984 : i32
        %dma_start3A_31 = arith.constant 0 : i32
        %dma_start3A_32 = tpu.memref_slice %arg9[%dma_start3A_30, %dma_start3A_31] : memref<10000x128xf32, #tpu.memory_space<vmem_shared>> -> memref<16x128xf32, #tpu.memory_space<vmem_shared>>
        %dma_start3A_33 = arith.constant 9984 : i32
        %dma_start3A_34 = arith.constant 0 : i32
        %dma_start3A_35 = tpu.memref_slice %arg9[%dma_start3A_33, %dma_start3A_34] : memref<10000x128xf32, #tpu.memory_space<vmem_shared>> -> memref<16x128xf32, #tpu.memory_space<vmem_shared>>
        %dma_start3A_36 = arith.constant 0 : i32
        %dma_start3A_37 = arith.constant 0 : i32
        %dma_start3A_38 = tpu.memref_slice %arg6[%dma_start3A_36, %dma_start3A_37] : memref<128x128xf32, #tpu.memory_space<vmem>> -> memref<16x128xf32, #tpu.memory_space<vmem>>
        tpu.enqueue_dma source(%dma_start3A_38 : memref<16x128xf32, #tpu.memory_space<vmem>>) target(%dma_start3A_35 : memref<16x128xf32, #tpu.memory_space<vmem_shared>>) target_semaphore(%run_scoped3A : memref<!tpu.dma_semaphore, #tpu.memory_space<semaphore_mem>>)
        %dma_wait3A = arith.constant 0 : i32
        %dma_wait3A_39 = arith.constant 0 : i32
        %dma_wait3A_40 = tpu.memref_slice %arg6[%dma_wait3A, %dma_wait3A_39] : memref<128x128xf32, #tpu.memory_space<vmem>> -> memref<16x128xf32, #tpu.memory_space<vmem>>
        %dma_wait3A_41 = arith.constant 9984 : i32
        %dma_wait3A_42 = arith.constant 0 : i32
        %dma_wait3A_43 = tpu.memref_slice %arg9[%dma_wait3A_41, %dma_wait3A_42] : memref<10000x128xf32, #tpu.memory_space<vmem_shared>> -> memref<16x128xf32, #tpu.memory_space<vmem_shared>>
        %dma_wait3A_44 = arith.constant 9984 : i32
        %dma_wait3A_45 = arith.constant 0 : i32
        %dma_wait3A_46 = tpu.memref_slice %arg9[%dma_wait3A_44, %dma_wait3A_45] : memref<10000x128xf32, #tpu.memory_space<vmem_shared>> -> memref<16x128xf32, #tpu.memory_space<vmem_shared>>
        %dma_wait3A_47 = arith.constant 0 : i32
        %dma_wait3A_48 = arith.constant 0 : i32
        %dma_wait3A_49 = tpu.memref_slice %arg6[%dma_wait3A_47, %dma_wait3A_48] : memref<128x128xf32, #tpu.memory_space<vmem>> -> memref<16x128xf32, #tpu.memory_space<vmem>>
        tpu.wait_dma2 semaphore(%run_scoped3A : memref<!tpu.dma_semaphore, #tpu.memory_space<semaphore_mem>>) src(%dma_wait3A_49 : memref<16x128xf32, #tpu.memory_space<vmem>>) dst(%dma_wait3A_46 : memref<16x128xf32, #tpu.memory_space<vmem_shared>>)
        tpu.yield
      }) : () -> ()
    } else {
    }
    %barrier3A = arith.constant 0 : index
    tpu.barrier barrier_id(%barrier3A)
    %scan3A_17 = arith.constant 0 : i32
    %scan3A_18 = arith.constant 40 : i32
    %scan3A_19 = arith.addi %scan3A_17, %scan3A_18 : i32
    %scan3A_20 = arith.constant 1 : i32
    scf.for %scan3A_28 = %scan3A_17 to %scan3A_19 step %scan3A_20  : i32 {
      %mul3A_29 = arith.constant 1 : i32
      %mul3A_30 = arith.muli %scan3A_28, %mul3A_29 : i32
      %add3A_31 = arith.constant 0 : i32
      %add3A_32 = arith.addi %add3A_31, %mul3A_30 : i32
      "tpu.region"() ({
        %run_scoped3A = tpu.sem_alloc : memref<!tpu.dma_semaphore, #tpu.memory_space<semaphore_mem>>
        %dma_start3A_170 = arith.constant 0 : i32
        %dma_start3A_171 = arith.constant 0 : i32
        %dma_start3A_172 = arith.constant 0 : i32
        %dma_start3A_173 = tpu.memref_slice %arg3[%arg0, %arg1, %add3A_32, %dma_start3A_170, %dma_start3A_171, %dma_start3A_172] : memref<2x16x40x3x4x128xi32, #tpu.memory_space<hbm>> -> memref<1x1x1x3x4x128xi32, #tpu.memory_space<hbm>>
        %dma_start3A_174 = tpu.memref_squeeze %dma_start3A_173 : memref<1x1x1x3x4x128xi32, #tpu.memory_space<hbm>> -> memref<3x4x128xi32, #tpu.memory_space<hbm>>
        %dma_start3A_175 = arith.constant 0 : i32
        %dma_start3A_176 = arith.constant 0 : i32
        %dma_start3A_177 = arith.constant 0 : i32
        %dma_start3A_178 = tpu.memref_slice %arg3[%arg0, %arg1, %add3A_32, %dma_start3A_175, %dma_start3A_176, %dma_start3A_177] : memref<2x16x40x3x4x128xi32, #tpu.memory_space<hbm>> -> memref<1x1x1x3x4x128xi32, #tpu.memory_space<hbm>>
        %dma_start3A_179 = tpu.memref_squeeze %dma_start3A_178 : memref<1x1x1x3x4x128xi32, #tpu.memory_space<hbm>> -> memref<3x4x128xi32, #tpu.memory_space<hbm>>
        tpu.enqueue_dma source(%dma_start3A_179 : memref<3x4x128xi32, #tpu.memory_space<hbm>>) target(%arg5 : memref<3x4x128xi32, #tpu.memory_space<vmem>>) target_semaphore(%run_scoped3A : memref<!tpu.dma_semaphore, #tpu.memory_space<semaphore_mem>>)
        %dma_wait3A_180 = arith.constant 0 : i32
        %dma_wait3A_181 = arith.constant 0 : i32
        %dma_wait3A_182 = arith.constant 0 : i32
        %dma_wait3A_183 = tpu.memref_slice %arg3[%arg0, %arg1, %add3A_32, %dma_wait3A_180, %dma_wait3A_181, %dma_wait3A_182] : memref<2x16x40x3x4x128xi32, #tpu.memory_space<hbm>> -> memref<1x1x1x3x4x128xi32, #tpu.memory_space<hbm>>
        %dma_wait3A_184 = tpu.memref_squeeze %dma_wait3A_183 : memref<1x1x1x3x4x128xi32, #tpu.memory_space<hbm>> -> memref<3x4x128xi32, #tpu.memory_space<hbm>>
        %dma_wait3A_185 = arith.constant 0 : i32
        %dma_wait3A_186 = arith.constant 0 : i32
        %dma_wait3A_187 = arith.constant 0 : i32
        %dma_wait3A_188 = tpu.memref_slice %arg3[%arg0, %arg1, %add3A_32, %dma_wait3A_185, %dma_wait3A_186, %dma_wait3A_187] : memref<2x16x40x3x4x128xi32, #tpu.memory_space<hbm>> -> memref<1x1x1x3x4x128xi32, #tpu.memory_space<hbm>>
        %dma_wait3A_189 = tpu.memref_squeeze %dma_wait3A_188 : memref<1x1x1x3x4x128xi32, #tpu.memory_space<hbm>> -> memref<3x4x128xi32, #tpu.memory_space<hbm>>
        tpu.wait_dma2 semaphore(%run_scoped3A : memref<!tpu.dma_semaphore, #tpu.memory_space<semaphore_mem>>) src(%dma_wait3A_189 : memref<3x4x128xi32, #tpu.memory_space<hbm>>) dst(%arg5 : memref<3x4x128xi32, #tpu.memory_space<vmem>>)
        tpu.yield
      }) : () -> ()
      %dma_start3A = arith.constant 0 : i32
      %dma_start3A_33 = arith.constant 0 : i32
      %dma_start3A_34 = arith.constant 0 : i32
      %dma_start3A_35 = tpu.memref_slice %arg5[%dma_start3A, %dma_start3A_33, %dma_start3A_34] : memref<3x4x128xi32, #tpu.memory_space<vmem>> -> memref<1x1x128xi32, #tpu.memory_space<vmem>>
      %dma_start3A_36 = tpu.memref_squeeze %dma_start3A_35 : memref<1x1x128xi32, #tpu.memory_space<vmem>> -> memref<128xi32, #tpu.memory_space<vmem>>
      %dma_start3A_37 = arith.constant 0 : i32
      %dma_start3A_38 = arith.constant 0 : i32
      %dma_start3A_39 = tpu.memref_slice %arg2[%dma_start3A_37, %dma_start3A_38] : memref<20000x128xf32, #tpu.memory_space<hbm>> -> memref<20000x128xf32, #tpu.memory_space<hbm>>
      tpu.enqueue_indirect_dma source(%dma_start3A_39 : memref<20000x128xf32, #tpu.memory_space<hbm>>) target(%arg6 : memref<128x128xf32, #tpu.memory_space<vmem>>) offsets(%dma_start3A_36 : memref<128xi32, #tpu.memory_space<vmem>>) semaphore(%arg10 : memref<!tpu.dma_semaphore, #tpu.memory_space<semaphore_mem>>)
      %dma_start3A_40 = arith.constant 0 : i32
      %dma_start3A_41 = arith.constant 1 : i32
      %dma_start3A_42 = arith.constant 0 : i32
      %dma_start3A_43 = tpu.memref_slice %arg5[%dma_start3A_40, %dma_start3A_41, %dma_start3A_42] : memref<3x4x128xi32, #tpu.memory_space<vmem>> -> memref<1x1x128xi32, #tpu.memory_space<vmem>>
      %dma_start3A_44 = tpu.memref_squeeze %dma_start3A_43 : memref<1x1x128xi32, #tpu.memory_space<vmem>> -> memref<128xi32, #tpu.memory_space<vmem>>
      %dma_start3A_45 = arith.constant 0 : i32
      %dma_start3A_46 = arith.constant 0 : i32
      %dma_start3A_47 = tpu.memref_slice %arg2[%dma_start3A_45, %dma_start3A_46] : memref<20000x128xf32, #tpu.memory_space<hbm>> -> memref<20000x128xf32, #tpu.memory_space<hbm>>
      tpu.enqueue_indirect_dma source(%dma_start3A_47 : memref<20000x128xf32, #tpu.memory_space<hbm>>) target(%arg7 : memref<128x128xf32, #tpu.memory_space<vmem>>) offsets(%dma_start3A_44 : memref<128xi32, #tpu.memory_space<vmem>>) semaphore(%arg11 : memref<!tpu.dma_semaphore, #tpu.memory_space<semaphore_mem>>)
      %dma_wait3A = arith.constant 0 : i32
      %dma_wait3A_48 = arith.constant 0 : i32
      %dma_wait3A_49 = arith.constant 0 : i32
      %dma_wait3A_50 = tpu.memref_slice %arg5[%dma_wait3A, %dma_wait3A_48, %dma_wait3A_49] : memref<3x4x128xi32, #tpu.memory_space<vmem>> -> memref<1x1x128xi32, #tpu.memory_space<vmem>>
      %dma_wait3A_51 = tpu.memref_squeeze %dma_wait3A_50 : memref<1x1x128xi32, #tpu.memory_space<vmem>> -> memref<128xi32, #tpu.memory_space<vmem>>
      %dma_wait3A_52 = arith.constant 0 : i32
      %dma_wait3A_53 = arith.constant 0 : i32
      %dma_wait3A_54 = tpu.memref_slice %arg2[%dma_wait3A_52, %dma_wait3A_53] : memref<20000x128xf32, #tpu.memory_space<hbm>> -> memref<20000x128xf32, #tpu.memory_space<hbm>>
      tpu.wait_indirect_dma semaphore(%arg10 : memref<!tpu.dma_semaphore, #tpu.memory_space<semaphore_mem>>) src(%dma_wait3A_54 : memref<20000x128xf32, #tpu.memory_space<hbm>>) dst(%arg6 : memref<128x128xf32, #tpu.memory_space<vmem>>)
      %dma_start3A_55 = arith.constant 0 : i32
      %dma_start3A_56 = arith.constant 2 : i32
      %dma_start3A_57 = arith.constant 0 : i32
      %dma_start3A_58 = tpu.memref_slice %arg5[%dma_start3A_55, %dma_start3A_56, %dma_start3A_57] : memref<3x4x128xi32, #tpu.memory_space<vmem>> -> memref<1x1x128xi32, #tpu.memory_space<vmem>>
      %dma_start3A_59 = tpu.memref_squeeze %dma_start3A_58 : memref<1x1x128xi32, #tpu.memory_space<vmem>> -> memref<128xi32, #tpu.memory_space<vmem>>
      %dma_start3A_60 = arith.constant 0 : i32
      %dma_start3A_61 = arith.constant 0 : i32
      %dma_start3A_62 = tpu.memref_slice %arg2[%dma_start3A_60, %dma_start3A_61] : memref<20000x128xf32, #tpu.memory_space<hbm>> -> memref<20000x128xf32, #tpu.memory_space<hbm>>
      tpu.enqueue_indirect_dma source(%dma_start3A_62 : memref<20000x128xf32, #tpu.memory_space<hbm>>) target(%arg8 : memref<128x128xf32, #tpu.memory_space<vmem>>) offsets(%dma_start3A_59 : memref<128xi32, #tpu.memory_space<vmem>>) semaphore(%arg12 : memref<!tpu.dma_semaphore, #tpu.memory_space<semaphore_mem>>)
      %parallel_loop3A = arith.constant 0 : i32
      %parallel_loop3A_63 = arith.constant 128 : i32
      %parallel_loop3A_64 = arith.constant 1 : i32
      scf.for %parallel_loop3A_170 = %parallel_loop3A to %parallel_loop3A_63 step %parallel_loop3A_64  : i32 {
        %parallel_loop3A_171 = arith.constant 2 : i32
        %parallel_loop3A_172 = vector.broadcast %parallel_loop3A_171 : i32 to vector<16xi32>
        %parallel_loop3A_173 = arith.constant 0 : i32
        %parallel_loop3A_174 = vector.broadcast %parallel_loop3A_173 : i32 to vector<16xi32>
        %parallel_loop3A_175 = vector.broadcast %parallel_loop3A_170 : i32 to vector<16xi32>
        %parallel_loop3A_176 = tpu.vector_load_idx %arg5[%parallel_loop3A_172, %parallel_loop3A_174, %parallel_loop3A_175] : memref<3x4x128xi32, #tpu.memory_space<vmem>>[vector<16xi32>, vector<16xi32>, vector<16xi32>], vector<16xi32>,
        %parallel_loop3A_177 = vector.bitcast %parallel_loop3A_176 : vector<16xi32> to vector<16xf32>
        %parallel_loop3A_178 = arith.index_cast %parallel_loop3A_170 : i32 to index
        %parallel_loop3A_179 = arith.constant 0 : index
        %parallel_loop3A_180 = tpu.vector_load %arg6[%parallel_loop3A_178, %parallel_loop3A_179] {strides = array<i32>} : memref<128x128xf32, #tpu.memory_space<vmem>>, vector<16xf32>,
        %parallel_loop3A_181 = arith.mulf %parallel_loop3A_180, %parallel_loop3A_177 : vector<16xf32>
        %parallel_loop3A_182 = arith.index_cast %parallel_loop3A_170 : i32 to index
        %parallel_loop3A_183 = arith.constant 0 : index
        %parallel_loop3A_184 = tpu.vector_load %arg6[%parallel_loop3A_182, %parallel_loop3A_183] {strides = array<i32>} : memref<128x128xf32, #tpu.memory_space<vmem>>, vector<16xf32>,
        tpu.vector_store %arg6[%parallel_loop3A_182, %parallel_loop3A_183], %parallel_loop3A_181 {strides = array<i32>} : memref<128x128xf32, #tpu.memory_space<vmem>>, vector<16xf32>,
        %parallel_loop3A_185 = arith.index_cast %parallel_loop3A_170 : i32 to index
        %parallel_loop3A_186 = arith.constant 16 : index
        %parallel_loop3A_187 = tpu.vector_load %arg6[%parallel_loop3A_185, %parallel_loop3A_186] {strides = array<i32>} : memref<128x128xf32, #tpu.memory_space<vmem>>, vector<16xf32>,
        %parallel_loop3A_188 = arith.mulf %parallel_loop3A_187, %parallel_loop3A_177 : vector<16xf32>
        %parallel_loop3A_189 = arith.index_cast %parallel_loop3A_170 : i32 to index
        %parallel_loop3A_190 = arith.constant 16 : index
        %parallel_loop3A_191 = tpu.vector_load %arg6[%parallel_loop3A_189, %parallel_loop3A_190] {strides = array<i32>} : memref<128x128xf32, #tpu.memory_space<vmem>>, vector<16xf32>,
        tpu.vector_store %arg6[%parallel_loop3A_189, %parallel_loop3A_190], %parallel_loop3A_188 {strides = array<i32>} : memref<128x128xf32, #tpu.memory_space<vmem>>, vector<16xf32>,
        %parallel_loop3A_192 = arith.index_cast %parallel_loop3A_170 : i32 to index
        %parallel_loop3A_193 = arith.constant 32 : index
        %parallel_loop3A_194 = tpu.vector_load %arg6[%parallel_loop3A_192, %parallel_loop3A_193] {strides = array<i32>} : memref<128x128xf32, #tpu.memory_space<vmem>>, vector<16xf32>,
        %parallel_loop3A_195 = arith.mulf %parallel_loop3A_194, %parallel_loop3A_177 : vector<16xf32>
        %parallel_loop3A_196 = arith.index_cast %parallel_loop3A_170 : i32 to index
        %parallel_loop3A_197 = arith.constant 32 : index
        %parallel_loop3A_198 = tpu.vector_load %arg6[%parallel_loop3A_196, %parallel_loop3A_197] {strides = array<i32>} : memref<128x128xf32, #tpu.memory_space<vmem>>, vector<16xf32>,
        tpu.vector_store %arg6[%parallel_loop3A_196, %parallel_loop3A_197], %parallel_loop3A_195 {strides = array<i32>} : memref<128x128xf32, #tpu.memory_space<vmem>>, vector<16xf32>,
        %parallel_loop3A_199 = arith.index_cast %parallel_loop3A_170 : i32 to index
        %parallel_loop3A_200 = arith.constant 48 : index
        %parallel_loop3A_201 = tpu.vector_load %arg6[%parallel_loop3A_199, %parallel_loop3A_200] {strides = array<i32>} : memref<128x128xf32, #tpu.memory_space<vmem>>, vector<16xf32>,
        %parallel_loop3A_202 = arith.mulf %parallel_loop3A_201, %parallel_loop3A_177 : vector<16xf32>
        %parallel_loop3A_203 = arith.index_cast %parallel_loop3A_170 : i32 to index
        %parallel_loop3A_204 = arith.constant 48 : index
        %parallel_loop3A_205 = tpu.vector_load %arg6[%parallel_loop3A_203, %parallel_loop3A_204] {strides = array<i32>} : memref<128x128xf32, #tpu.memory_space<vmem>>, vector<16xf32>,
        tpu.vector_store %arg6[%parallel_loop3A_203, %parallel_loop3A_204], %parallel_loop3A_202 {strides = array<i32>} : memref<128x128xf32, #tpu.memory_space<vmem>>, vector<16xf32>,
        %parallel_loop3A_206 = arith.index_cast %parallel_loop3A_170 : i32 to index
        %parallel_loop3A_207 = arith.constant 64 : index
        %parallel_loop3A_208 = tpu.vector_load %arg6[%parallel_loop3A_206, %parallel_loop3A_207] {strides = array<i32>} : memref<128x128xf32, #tpu.memory_space<vmem>>, vector<16xf32>,
        %parallel_loop3A_209 = arith.mulf %parallel_loop3A_208, %parallel_loop3A_177 : vector<16xf32>
        %parallel_loop3A_210 = arith.index_cast %parallel_loop3A_170 : i32 to index
        %parallel_loop3A_211 = arith.constant 64 : index
        %parallel_loop3A_212 = tpu.vector_load %arg6[%parallel_loop3A_210, %parallel_loop3A_211] {strides = array<i32>} : memref<128x128xf32, #tpu.memory_space<vmem>>, vector<16xf32>,
        tpu.vector_store %arg6[%parallel_loop3A_210, %parallel_loop3A_211], %parallel_loop3A_209 {strides = array<i32>} : memref<128x128xf32, #tpu.memory_space<vmem>>, vector<16xf32>,
        %parallel_loop3A_213 = arith.index_cast %parallel_loop3A_170 : i32 to index
        %parallel_loop3A_214 = arith.constant 80 : index
        %parallel_loop3A_215 = tpu.vector_load %arg6[%parallel_loop3A_213, %parallel_loop3A_214] {strides = array<i32>} : memref<128x128xf32, #tpu.memory_space<vmem>>, vector<16xf32>,
        %parallel_loop3A_216 = arith.mulf %parallel_loop3A_215, %parallel_loop3A_177 : vector<16xf32>
        %parallel_loop3A_217 = arith.index_cast %parallel_loop3A_170 : i32 to index
        %parallel_loop3A_218 = arith.constant 80 : index
        %parallel_loop3A_219 = tpu.vector_load %arg6[%parallel_loop3A_217, %parallel_loop3A_218] {strides = array<i32>} : memref<128x128xf32, #tpu.memory_space<vmem>>, vector<16xf32>,
        tpu.vector_store %arg6[%parallel_loop3A_217, %parallel_loop3A_218], %parallel_loop3A_216 {strides = array<i32>} : memref<128x128xf32, #tpu.memory_space<vmem>>, vector<16xf32>,
        %parallel_loop3A_220 = arith.index_cast %parallel_loop3A_170 : i32 to index
        %parallel_loop3A_221 = arith.constant 96 : index
        %parallel_loop3A_222 = tpu.vector_load %arg6[%parallel_loop3A_220, %parallel_loop3A_221] {strides = array<i32>} : memref<128x128xf32, #tpu.memory_space<vmem>>, vector<16xf32>,
        %parallel_loop3A_223 = arith.mulf %parallel_loop3A_222, %parallel_loop3A_177 : vector<16xf32>
        %parallel_loop3A_224 = arith.index_cast %parallel_loop3A_170 : i32 to index
        %parallel_loop3A_225 = arith.constant 96 : index
        %parallel_loop3A_226 = tpu.vector_load %arg6[%parallel_loop3A_224, %parallel_loop3A_225] {strides = array<i32>} : memref<128x128xf32, #tpu.memory_space<vmem>>, vector<16xf32>,
        tpu.vector_store %arg6[%parallel_loop3A_224, %parallel_loop3A_225], %parallel_loop3A_223 {strides = array<i32>} : memref<128x128xf32, #tpu.memory_space<vmem>>, vector<16xf32>,
        %parallel_loop3A_227 = arith.index_cast %parallel_loop3A_170 : i32 to index
        %parallel_loop3A_228 = arith.constant 112 : index
        %parallel_loop3A_229 = tpu.vector_load %arg6[%parallel_loop3A_227, %parallel_loop3A_228] {strides = array<i32>} : memref<128x128xf32, #tpu.memory_space<vmem>>, vector<16xf32>,
        %parallel_loop3A_230 = arith.mulf %parallel_loop3A_229, %parallel_loop3A_177 : vector<16xf32>
        %parallel_loop3A_231 = arith.index_cast %parallel_loop3A_170 : i32 to index
        %parallel_loop3A_232 = arith.constant 112 : index
        %parallel_loop3A_233 = tpu.vector_load %arg6[%parallel_loop3A_231, %parallel_loop3A_232] {strides = array<i32>} : memref<128x128xf32, #tpu.memory_space<vmem>>, vector<16xf32>,
        tpu.vector_store %arg6[%parallel_loop3A_231, %parallel_loop3A_232], %parallel_loop3A_230 {strides = array<i32>} : memref<128x128xf32, #tpu.memory_space<vmem>>, vector<16xf32>,
      } {sc.loop_unroll_factor = 4 : i64, sc.parallel_access}
      %dma_start3A_65 = arith.constant 1 : i32
      %dma_start3A_66 = arith.constant 0 : i32
      %dma_start3A_67 = arith.constant 0 : i32
      %dma_start3A_68 = tpu.memref_slice %arg5[%dma_start3A_65, %dma_start3A_66, %dma_start3A_67] : memref<3x4x128xi32, #tpu.memory_space<vmem>> -> memref<1x1x128xi32, #tpu.memory_space<vmem>>
      %dma_start3A_69 = tpu.memref_squeeze %dma_start3A_68 : memref<1x1x128xi32, #tpu.memory_space<vmem>> -> memref<128xi32, #tpu.memory_space<vmem>>
      %dma_start3A_70 = arith.constant 0 : i32
      %dma_start3A_71 = arith.constant 0 : i32
      %dma_start3A_72 = tpu.memref_slice %arg9[%dma_start3A_70, %dma_start3A_71] : memref<10000x128xf32, #tpu.memory_space<vmem_shared>> -> memref<10000x128xf32, #tpu.memory_space<vmem_shared>>
      tpu.enqueue_indirect_dma source(%arg6 : memref<128x128xf32, #tpu.memory_space<vmem>>) target(%dma_start3A_72 : memref<10000x128xf32, #tpu.memory_space<vmem_shared>>) offsets(%dma_start3A_69 : memref<128xi32, #tpu.memory_space<vmem>>) semaphore(%arg13 : memref<!tpu.dma_semaphore, #tpu.memory_space<semaphore_mem>>) {add = true}
      %dma_wait3A_73 = arith.constant 0 : i32
      %dma_wait3A_74 = arith.constant 1 : i32
      %dma_wait3A_75 = arith.constant 0 : i32
      %dma_wait3A_76 = tpu.memref_slice %arg5[%dma_wait3A_73, %dma_wait3A_74, %dma_wait3A_75] : memref<3x4x128xi32, #tpu.memory_space<vmem>> -> memref<1x1x128xi32, #tpu.memory_space<vmem>>
      %dma_wait3A_77 = tpu.memref_squeeze %dma_wait3A_76 : memref<1x1x128xi32, #tpu.memory_space<vmem>> -> memref<128xi32, #tpu.memory_space<vmem>>
      %dma_wait3A_78 = arith.constant 0 : i32
      %dma_wait3A_79 = arith.constant 0 : i32
      %dma_wait3A_80 = tpu.memref_slice %arg2[%dma_wait3A_78, %dma_wait3A_79] : memref<20000x128xf32, #tpu.memory_space<hbm>> -> memref<20000x128xf32, #tpu.memory_space<hbm>>
      tpu.wait_indirect_dma semaphore(%arg11 : memref<!tpu.dma_semaphore, #tpu.memory_space<semaphore_mem>>) src(%dma_wait3A_80 : memref<20000x128xf32, #tpu.memory_space<hbm>>) dst(%arg7 : memref<128x128xf32, #tpu.memory_space<vmem>>)
      %dma_wait3A_81 = arith.constant 1 : i32
      %dma_wait3A_82 = arith.constant 0 : i32
      %dma_wait3A_83 = arith.constant 0 : i32
      %dma_wait3A_84 = tpu.memref_slice %arg5[%dma_wait3A_81, %dma_wait3A_82, %dma_wait3A_83] : memref<3x4x128xi32, #tpu.memory_space<vmem>> -> memref<1x1x128xi32, #tpu.memory_space<vmem>>
      %dma_wait3A_85 = tpu.memref_squeeze %dma_wait3A_84 : memref<1x1x128xi32, #tpu.memory_space<vmem>> -> memref<128xi32, #tpu.memory_space<vmem>>
      %dma_wait3A_86 = arith.constant 0 : i32
      %dma_wait3A_87 = arith.constant 0 : i32
      %dma_wait3A_88 = tpu.memref_slice %arg9[%dma_wait3A_86, %dma_wait3A_87] : memref<10000x128xf32, #tpu.memory_space<vmem_shared>> -> memref<10000x128xf32, #tpu.memory_space<vmem_shared>>
      tpu.wait_indirect_dma semaphore(%arg13 : memref<!tpu.dma_semaphore, #tpu.memory_space<semaphore_mem>>) src(%arg6 : memref<128x128xf32, #tpu.memory_space<vmem>>) dst(%dma_wait3A_88 : memref<10000x128xf32, #tpu.memory_space<vmem_shared>>)
      %dma_start3A_89 = arith.constant 0 : i32
      %dma_start3A_90 = arith.constant 3 : i32
      %dma_start3A_91 = arith.constant 0 : i32
      %dma_start3A_92 = tpu.memref_slice %arg5[%dma_start3A_89, %dma_start3A_90, %dma_start3A_91] : memref<3x4x128xi32, #tpu.memory_space<vmem>> -> memref<1x1x128xi32, #tpu.memory_space<vmem>>
      %dma_start3A_93 = tpu.memref_squeeze %dma_start3A_92 : memref<1x1x128xi32, #tpu.memory_space<vmem>> -> memref<128xi32, #tpu.memory_space<vmem>>
      %dma_start3A_94 = arith.constant 0 : i32
      %dma_start3A_95 = arith.constant 0 : i32
      %dma_start3A_96 = tpu.memref_slice %arg2[%dma_start3A_94, %dma_start3A_95] : memref<20000x128xf32, #tpu.memory_space<hbm>> -> memref<20000x128xf32, #tpu.memory_space<hbm>>
      tpu.enqueue_indirect_dma source(%dma_start3A_96 : memref<20000x128xf32, #tpu.memory_space<hbm>>) target(%arg6 : memref<128x128xf32, #tpu.memory_space<vmem>>) offsets(%dma_start3A_93 : memref<128xi32, #tpu.memory_space<vmem>>) semaphore(%arg10 : memref<!tpu.dma_semaphore, #tpu.memory_space<semaphore_mem>>)
      %parallel_loop3A_97 = arith.constant 0 : i32
      %parallel_loop3A_98 = arith.constant 128 : i32
      %parallel_loop3A_99 = arith.constant 1 : i32
      scf.for %parallel_loop3A_170 = %parallel_loop3A_97 to %parallel_loop3A_98 step %parallel_loop3A_99  : i32 {
        %parallel_loop3A_171 = arith.constant 2 : i32
        %parallel_loop3A_172 = vector.broadcast %parallel_loop3A_171 : i32 to vector<16xi32>
        %parallel_loop3A_173 = arith.constant 1 : i32
        %parallel_loop3A_174 = vector.broadcast %parallel_loop3A_173 : i32 to vector<16xi32>
        %parallel_loop3A_175 = vector.broadcast %parallel_loop3A_170 : i32 to vector<16xi32>
        %parallel_loop3A_176 = tpu.vector_load_idx %arg5[%parallel_loop3A_172, %parallel_loop3A_174, %parallel_loop3A_175] : memref<3x4x128xi32, #tpu.memory_space<vmem>>[vector<16xi32>, vector<16xi32>, vector<16xi32>], vector<16xi32>,
        %parallel_loop3A_177 = vector.bitcast %parallel_loop3A_176 : vector<16xi32> to vector<16xf32>
        %parallel_loop3A_178 = arith.index_cast %parallel_loop3A_170 : i32 to index
        %parallel_loop3A_179 = arith.constant 0 : index
        %parallel_loop3A_180 = tpu.vector_load %arg7[%parallel_loop3A_178, %parallel_loop3A_179] {strides = array<i32>} : memref<128x128xf32, #tpu.memory_space<vmem>>, vector<16xf32>,
        %parallel_loop3A_181 = arith.mulf %parallel_loop3A_180, %parallel_loop3A_177 : vector<16xf32>
        %parallel_loop3A_182 = arith.index_cast %parallel_loop3A_170 : i32 to index
        %parallel_loop3A_183 = arith.constant 0 : index
        %parallel_loop3A_184 = tpu.vector_load %arg7[%parallel_loop3A_182, %parallel_loop3A_183] {strides = array<i32>} : memref<128x128xf32, #tpu.memory_space<vmem>>, vector<16xf32>,
        tpu.vector_store %arg7[%parallel_loop3A_182, %parallel_loop3A_183], %parallel_loop3A_181 {strides = array<i32>} : memref<128x128xf32, #tpu.memory_space<vmem>>, vector<16xf32>,
        %parallel_loop3A_185 = arith.index_cast %parallel_loop3A_170 : i32 to index
        %parallel_loop3A_186 = arith.constant 16 : index
        %parallel_loop3A_187 = tpu.vector_load %arg7[%parallel_loop3A_185, %parallel_loop3A_186] {strides = array<i32>} : memref<128x128xf32, #tpu.memory_space<vmem>>, vector<16xf32>,
        %parallel_loop3A_188 = arith.mulf %parallel_loop3A_187, %parallel_loop3A_177 : vector<16xf32>
        %parallel_loop3A_189 = arith.index_cast %parallel_loop3A_170 : i32 to index
        %parallel_loop3A_190 = arith.constant 16 : index
        %parallel_loop3A_191 = tpu.vector_load %arg7[%parallel_loop3A_189, %parallel_loop3A_190] {strides = array<i32>} : memref<128x128xf32, #tpu.memory_space<vmem>>, vector<16xf32>,
        tpu.vector_store %arg7[%parallel_loop3A_189, %parallel_loop3A_190], %parallel_loop3A_188 {strides = array<i32>} : memref<128x128xf32, #tpu.memory_space<vmem>>, vector<16xf32>,
        %parallel_loop3A_192 = arith.index_cast %parallel_loop3A_170 : i32 to index
        %parallel_loop3A_193 = arith.constant 32 : index
        %parallel_loop3A_194 = tpu.vector_load %arg7[%parallel_loop3A_192, %parallel_loop3A_193] {strides = array<i32>} : memref<128x128xf32, #tpu.memory_space<vmem>>, vector<16xf32>,
        %parallel_loop3A_195 = arith.mulf %parallel_loop3A_194, %parallel_loop3A_177 : vector<16xf32>
        %parallel_loop3A_196 = arith.index_cast %parallel_loop3A_170 : i32 to index
        %parallel_loop3A_197 = arith.constant 32 : index
        %parallel_loop3A_198 = tpu.vector_load %arg7[%parallel_loop3A_196, %parallel_loop3A_197] {strides = array<i32>} : memref<128x128xf32, #tpu.memory_space<vmem>>, vector<16xf32>,
        tpu.vector_store %arg7[%parallel_loop3A_196, %parallel_loop3A_197], %parallel_loop3A_195 {strides = array<i32>} : memref<128x128xf32, #tpu.memory_space<vmem>>, vector<16xf32>,
        %parallel_loop3A_199 = arith.index_cast %parallel_loop3A_170 : i32 to index
        %parallel_loop3A_200 = arith.constant 48 : index
        %parallel_loop3A_201 = tpu.vector_load %arg7[%parallel_loop3A_199, %parallel_loop3A_200] {strides = array<i32>} : memref<128x128xf32, #tpu.memory_space<vmem>>, vector<16xf32>,
        %parallel_loop3A_202 = arith.mulf %parallel_loop3A_201, %parallel_loop3A_177 : vector<16xf32>
        %parallel_loop3A_203 = arith.index_cast %parallel_loop3A_170 : i32 to index
        %parallel_loop3A_204 = arith.constant 48 : index
        %parallel_loop3A_205 = tpu.vector_load %arg7[%parallel_loop3A_203, %parallel_loop3A_204] {strides = array<i32>} : memref<128x128xf32, #tpu.memory_space<vmem>>, vector<16xf32>,
        tpu.vector_store %arg7[%parallel_loop3A_203, %parallel_loop3A_204], %parallel_loop3A_202 {strides = array<i32>} : memref<128x128xf32, #tpu.memory_space<vmem>>, vector<16xf32>,
        %parallel_loop3A_206 = arith.index_cast %parallel_loop3A_170 : i32 to index
        %parallel_loop3A_207 = arith.constant 64 : index
        %parallel_loop3A_208 = tpu.vector_load %arg7[%parallel_loop3A_206, %parallel_loop3A_207] {strides = array<i32>} : memref<128x128xf32, #tpu.memory_space<vmem>>, vector<16xf32>,
        %parallel_loop3A_209 = arith.mulf %parallel_loop3A_208, %parallel_loop3A_177 : vector<16xf32>
        %parallel_loop3A_210 = arith.index_cast %parallel_loop3A_170 : i32 to index
        %parallel_loop3A_211 = arith.constant 64 : index
        %parallel_loop3A_212 = tpu.vector_load %arg7[%parallel_loop3A_210, %parallel_loop3A_211] {strides = array<i32>} : memref<128x128xf32, #tpu.memory_space<vmem>>, vector<16xf32>,
        tpu.vector_store %arg7[%parallel_loop3A_210, %parallel_loop3A_211], %parallel_loop3A_209 {strides = array<i32>} : memref<128x128xf32, #tpu.memory_space<vmem>>, vector<16xf32>,
        %parallel_loop3A_213 = arith.index_cast %parallel_loop3A_170 : i32 to index
        %parallel_loop3A_214 = arith.constant 80 : index
        %parallel_loop3A_215 = tpu.vector_load %arg7[%parallel_loop3A_213, %parallel_loop3A_214] {strides = array<i32>} : memref<128x128xf32, #tpu.memory_space<vmem>>, vector<16xf32>,
        %parallel_loop3A_216 = arith.mulf %parallel_loop3A_215, %parallel_loop3A_177 : vector<16xf32>
        %parallel_loop3A_217 = arith.index_cast %parallel_loop3A_170 : i32 to index
        %parallel_loop3A_218 = arith.constant 80 : index
        %parallel_loop3A_219 = tpu.vector_load %arg7[%parallel_loop3A_217, %parallel_loop3A_218] {strides = array<i32>} : memref<128x128xf32, #tpu.memory_space<vmem>>, vector<16xf32>,
        tpu.vector_store %arg7[%parallel_loop3A_217, %parallel_loop3A_218], %parallel_loop3A_216 {strides = array<i32>} : memref<128x128xf32, #tpu.memory_space<vmem>>, vector<16xf32>,
        %parallel_loop3A_220 = arith.index_cast %parallel_loop3A_170 : i32 to index
        %parallel_loop3A_221 = arith.constant 96 : index
        %parallel_loop3A_222 = tpu.vector_load %arg7[%parallel_loop3A_220, %parallel_loop3A_221] {strides = array<i32>} : memref<128x128xf32, #tpu.memory_space<vmem>>, vector<16xf32>,
        %parallel_loop3A_223 = arith.mulf %parallel_loop3A_222, %parallel_loop3A_177 : vector<16xf32>
        %parallel_loop3A_224 = arith.index_cast %parallel_loop3A_170 : i32 to index
        %parallel_loop3A_225 = arith.constant 96 : index
        %parallel_loop3A_226 = tpu.vector_load %arg7[%parallel_loop3A_224, %parallel_loop3A_225] {strides = array<i32>} : memref<128x128xf32, #tpu.memory_space<vmem>>, vector<16xf32>,
        tpu.vector_store %arg7[%parallel_loop3A_224, %parallel_loop3A_225], %parallel_loop3A_223 {strides = array<i32>} : memref<128x128xf32, #tpu.memory_space<vmem>>, vector<16xf32>,
        %parallel_loop3A_227 = arith.index_cast %parallel_loop3A_170 : i32 to index
        %parallel_loop3A_228 = arith.constant 112 : index
        %parallel_loop3A_229 = tpu.vector_load %arg7[%parallel_loop3A_227, %parallel_loop3A_228] {strides = array<i32>} : memref<128x128xf32, #tpu.memory_space<vmem>>, vector<16xf32>,
        %parallel_loop3A_230 = arith.mulf %parallel_loop3A_229, %parallel_loop3A_177 : vector<16xf32>
        %parallel_loop3A_231 = arith.index_cast %parallel_loop3A_170 : i32 to index
        %parallel_loop3A_232 = arith.constant 112 : index
        %parallel_loop3A_233 = tpu.vector_load %arg7[%parallel_loop3A_231, %parallel_loop3A_232] {strides = array<i32>} : memref<128x128xf32, #tpu.memory_space<vmem>>, vector<16xf32>,
        tpu.vector_store %arg7[%parallel_loop3A_231, %parallel_loop3A_232], %parallel_loop3A_230 {strides = array<i32>} : memref<128x128xf32, #tpu.memory_space<vmem>>, vector<16xf32>,
      } {sc.loop_unroll_factor = 4 : i64, sc.parallel_access}
      %dma_start3A_100 = arith.constant 1 : i32
      %dma_start3A_101 = arith.constant 1 : i32
      %dma_start3A_102 = arith.constant 0 : i32
      %dma_start3A_103 = tpu.memref_slice %arg5[%dma_start3A_100, %dma_start3A_101, %dma_start3A_102] : memref<3x4x128xi32, #tpu.memory_space<vmem>> -> memref<1x1x128xi32, #tpu.memory_space<vmem>>
      %dma_start3A_104 = tpu.memref_squeeze %dma_start3A_103 : memref<1x1x128xi32, #tpu.memory_space<vmem>> -> memref<128xi32, #tpu.memory_space<vmem>>
      %dma_start3A_105 = arith.constant 0 : i32
      %dma_start3A_106 = arith.constant 0 : i32
      %dma_start3A_107 = tpu.memref_slice %arg9[%dma_start3A_105, %dma_start3A_106] : memref<10000x128xf32, #tpu.memory_space<vmem_shared>> -> memref<10000x128xf32, #tpu.memory_space<vmem_shared>>
      tpu.enqueue_indirect_dma source(%arg7 : memref<128x128xf32, #tpu.memory_space<vmem>>) target(%dma_start3A_107 : memref<10000x128xf32, #tpu.memory_space<vmem_shared>>) offsets(%dma_start3A_104 : memref<128xi32, #tpu.memory_space<vmem>>) semaphore(%arg14 : memref<!tpu.dma_semaphore, #tpu.memory_space<semaphore_mem>>) {add = true}
      %dma_wait3A_108 = arith.constant 0 : i32
      %dma_wait3A_109 = arith.constant 2 : i32
      %dma_wait3A_110 = arith.constant 0 : i32
      %dma_wait3A_111 = tpu.memref_slice %arg5[%dma_wait3A_108, %dma_wait3A_109, %dma_wait3A_110] : memref<3x4x128xi32, #tpu.memory_space<vmem>> -> memref<1x1x128xi32, #tpu.memory_space<vmem>>
      %dma_wait3A_112 = tpu.memref_squeeze %dma_wait3A_111 : memref<1x1x128xi32, #tpu.memory_space<vmem>> -> memref<128xi32, #tpu.memory_space<vmem>>
      %dma_wait3A_113 = arith.constant 0 : i32
      %dma_wait3A_114 = arith.constant 0 : i32
      %dma_wait3A_115 = tpu.memref_slice %arg2[%dma_wait3A_113, %dma_wait3A_114] : memref<20000x128xf32, #tpu.memory_space<hbm>> -> memref<20000x128xf32, #tpu.memory_space<hbm>>
      tpu.wait_indirect_dma semaphore(%arg12 : memref<!tpu.dma_semaphore, #tpu.memory_space<semaphore_mem>>) src(%dma_wait3A_115 : memref<20000x128xf32, #tpu.memory_space<hbm>>) dst(%arg8 : memref<128x128xf32, #tpu.memory_space<vmem>>)
      %parallel_loop3A_116 = arith.constant 0 : i32
      %parallel_loop3A_117 = arith.constant 128 : i32
      %parallel_loop3A_118 = arith.constant 1 : i32
      scf.for %parallel_loop3A_170 = %parallel_loop3A_116 to %parallel_loop3A_117 step %parallel_loop3A_118  : i32 {
        %parallel_loop3A_171 = arith.constant 2 : i32
        %parallel_loop3A_172 = vector.broadcast %parallel_loop3A_171 : i32 to vector<16xi32>
        %parallel_loop3A_173 = arith.constant 2 : i32
        %parallel_loop3A_174 = vector.broadcast %parallel_loop3A_173 : i32 to vector<16xi32>
        %parallel_loop3A_175 = vector.broadcast %parallel_loop3A_170 : i32 to vector<16xi32>
        %parallel_loop3A_176 = tpu.vector_load_idx %arg5[%parallel_loop3A_172, %parallel_loop3A_174, %parallel_loop3A_175] : memref<3x4x128xi32, #tpu.memory_space<vmem>>[vector<16xi32>, vector<16xi32>, vector<16xi32>], vector<16xi32>,
        %parallel_loop3A_177 = vector.bitcast %parallel_loop3A_176 : vector<16xi32> to vector<16xf32>
        %parallel_loop3A_178 = arith.index_cast %parallel_loop3A_170 : i32 to index
        %parallel_loop3A_179 = arith.constant 0 : index
        %parallel_loop3A_180 = tpu.vector_load %arg8[%parallel_loop3A_178, %parallel_loop3A_179] {strides = array<i32>} : memref<128x128xf32, #tpu.memory_space<vmem>>, vector<16xf32>,
        %parallel_loop3A_181 = arith.mulf %parallel_loop3A_180, %parallel_loop3A_177 : vector<16xf32>
        %parallel_loop3A_182 = arith.index_cast %parallel_loop3A_170 : i32 to index
        %parallel_loop3A_183 = arith.constant 0 : index
        %parallel_loop3A_184 = tpu.vector_load %arg8[%parallel_loop3A_182, %parallel_loop3A_183] {strides = array<i32>} : memref<128x128xf32, #tpu.memory_space<vmem>>, vector<16xf32>,
        tpu.vector_store %arg8[%parallel_loop3A_182, %parallel_loop3A_183], %parallel_loop3A_181 {strides = array<i32>} : memref<128x128xf32, #tpu.memory_space<vmem>>, vector<16xf32>,
        %parallel_loop3A_185 = arith.index_cast %parallel_loop3A_170 : i32 to index
        %parallel_loop3A_186 = arith.constant 16 : index
        %parallel_loop3A_187 = tpu.vector_load %arg8[%parallel_loop3A_185, %parallel_loop3A_186] {strides = array<i32>} : memref<128x128xf32, #tpu.memory_space<vmem>>, vector<16xf32>,
        %parallel_loop3A_188 = arith.mulf %parallel_loop3A_187, %parallel_loop3A_177 : vector<16xf32>
        %parallel_loop3A_189 = arith.index_cast %parallel_loop3A_170 : i32 to index
        %parallel_loop3A_190 = arith.constant 16 : index
        %parallel_loop3A_191 = tpu.vector_load %arg8[%parallel_loop3A_189, %parallel_loop3A_190] {strides = array<i32>} : memref<128x128xf32, #tpu.memory_space<vmem>>, vector<16xf32>,
        tpu.vector_store %arg8[%parallel_loop3A_189, %parallel_loop3A_190], %parallel_loop3A_188 {strides = array<i32>} : memref<128x128xf32, #tpu.memory_space<vmem>>, vector<16xf32>,
        %parallel_loop3A_192 = arith.index_cast %parallel_loop3A_170 : i32 to index
        %parallel_loop3A_193 = arith.constant 32 : index
        %parallel_loop3A_194 = tpu.vector_load %arg8[%parallel_loop3A_192, %parallel_loop3A_193] {strides = array<i32>} : memref<128x128xf32, #tpu.memory_space<vmem>>, vector<16xf32>,
        %parallel_loop3A_195 = arith.mulf %parallel_loop3A_194, %parallel_loop3A_177 : vector<16xf32>
        %parallel_loop3A_196 = arith.index_cast %parallel_loop3A_170 : i32 to index
        %parallel_loop3A_197 = arith.constant 32 : index
        %parallel_loop3A_198 = tpu.vector_load %arg8[%parallel_loop3A_196, %parallel_loop3A_197] {strides = array<i32>} : memref<128x128xf32, #tpu.memory_space<vmem>>, vector<16xf32>,
        tpu.vector_store %arg8[%parallel_loop3A_196, %parallel_loop3A_197], %parallel_loop3A_195 {strides = array<i32>} : memref<128x128xf32, #tpu.memory_space<vmem>>, vector<16xf32>,
        %parallel_loop3A_199 = arith.index_cast %parallel_loop3A_170 : i32 to index
        %parallel_loop3A_200 = arith.constant 48 : index
        %parallel_loop3A_201 = tpu.vector_load %arg8[%parallel_loop3A_199, %parallel_loop3A_200] {strides = array<i32>} : memref<128x128xf32, #tpu.memory_space<vmem>>, vector<16xf32>,
        %parallel_loop3A_202 = arith.mulf %parallel_loop3A_201, %parallel_loop3A_177 : vector<16xf32>
        %parallel_loop3A_203 = arith.index_cast %parallel_loop3A_170 : i32 to index
        %parallel_loop3A_204 = arith.constant 48 : index
        %parallel_loop3A_205 = tpu.vector_load %arg8[%parallel_loop3A_203, %parallel_loop3A_204] {strides = array<i32>} : memref<128x128xf32, #tpu.memory_space<vmem>>, vector<16xf32>,
        tpu.vector_store %arg8[%parallel_loop3A_203, %parallel_loop3A_204], %parallel_loop3A_202 {strides = array<i32>} : memref<128x128xf32, #tpu.memory_space<vmem>>, vector<16xf32>,
        %parallel_loop3A_206 = arith.index_cast %parallel_loop3A_170 : i32 to index
        %parallel_loop3A_207 = arith.constant 64 : index
        %parallel_loop3A_208 = tpu.vector_load %arg8[%parallel_loop3A_206, %parallel_loop3A_207] {strides = array<i32>} : memref<128x128xf32, #tpu.memory_space<vmem>>, vector<16xf32>,
        %parallel_loop3A_209 = arith.mulf %parallel_loop3A_208, %parallel_loop3A_177 : vector<16xf32>
        %parallel_loop3A_210 = arith.index_cast %parallel_loop3A_170 : i32 to index
        %parallel_loop3A_211 = arith.constant 64 : index
        %parallel_loop3A_212 = tpu.vector_load %arg8[%parallel_loop3A_210, %parallel_loop3A_211] {strides = array<i32>} : memref<128x128xf32, #tpu.memory_space<vmem>>, vector<16xf32>,
        tpu.vector_store %arg8[%parallel_loop3A_210, %parallel_loop3A_211], %parallel_loop3A_209 {strides = array<i32>} : memref<128x128xf32, #tpu.memory_space<vmem>>, vector<16xf32>,
        %parallel_loop3A_213 = arith.index_cast %parallel_loop3A_170 : i32 to index
        %parallel_loop3A_214 = arith.constant 80 : index
        %parallel_loop3A_215 = tpu.vector_load %arg8[%parallel_loop3A_213, %parallel_loop3A_214] {strides = array<i32>} : memref<128x128xf32, #tpu.memory_space<vmem>>, vector<16xf32>,
        %parallel_loop3A_216 = arith.mulf %parallel_loop3A_215, %parallel_loop3A_177 : vector<16xf32>
        %parallel_loop3A_217 = arith.index_cast %parallel_loop3A_170 : i32 to index
        %parallel_loop3A_218 = arith.constant 80 : index
        %parallel_loop3A_219 = tpu.vector_load %arg8[%parallel_loop3A_217, %parallel_loop3A_218] {strides = array<i32>} : memref<128x128xf32, #tpu.memory_space<vmem>>, vector<16xf32>,
        tpu.vector_store %arg8[%parallel_loop3A_217, %parallel_loop3A_218], %parallel_loop3A_216 {strides = array<i32>} : memref<128x128xf32, #tpu.memory_space<vmem>>, vector<16xf32>,
        %parallel_loop3A_220 = arith.index_cast %parallel_loop3A_170 : i32 to index
        %parallel_loop3A_221 = arith.constant 96 : index
        %parallel_loop3A_222 = tpu.vector_load %arg8[%parallel_loop3A_220, %parallel_loop3A_221] {strides = array<i32>} : memref<128x128xf32, #tpu.memory_space<vmem>>, vector<16xf32>,
        %parallel_loop3A_223 = arith.mulf %parallel_loop3A_222, %parallel_loop3A_177 : vector<16xf32>
        %parallel_loop3A_224 = arith.index_cast %parallel_loop3A_170 : i32 to index
        %parallel_loop3A_225 = arith.constant 96 : index
        %parallel_loop3A_226 = tpu.vector_load %arg8[%parallel_loop3A_224, %parallel_loop3A_225] {strides = array<i32>} : memref<128x128xf32, #tpu.memory_space<vmem>>, vector<16xf32>,
        tpu.vector_store %arg8[%parallel_loop3A_224, %parallel_loop3A_225], %parallel_loop3A_223 {strides = array<i32>} : memref<128x128xf32, #tpu.memory_space<vmem>>, vector<16xf32>,
        %parallel_loop3A_227 = arith.index_cast %parallel_loop3A_170 : i32 to index
        %parallel_loop3A_228 = arith.constant 112 : index
        %parallel_loop3A_229 = tpu.vector_load %arg8[%parallel_loop3A_227, %parallel_loop3A_228] {strides = array<i32>} : memref<128x128xf32, #tpu.memory_space<vmem>>, vector<16xf32>,
        %parallel_loop3A_230 = arith.mulf %parallel_loop3A_229, %parallel_loop3A_177 : vector<16xf32>
        %parallel_loop3A_231 = arith.index_cast %parallel_loop3A_170 : i32 to index
        %parallel_loop3A_232 = arith.constant 112 : index
        %parallel_loop3A_233 = tpu.vector_load %arg8[%parallel_loop3A_231, %parallel_loop3A_232] {strides = array<i32>} : memref<128x128xf32, #tpu.memory_space<vmem>>, vector<16xf32>,
        tpu.vector_store %arg8[%parallel_loop3A_231, %parallel_loop3A_232], %parallel_loop3A_230 {strides = array<i32>} : memref<128x128xf32, #tpu.memory_space<vmem>>, vector<16xf32>,
      } {sc.loop_unroll_factor = 4 : i64, sc.parallel_access}
      %dma_start3A_119 = arith.constant 1 : i32
      %dma_start3A_120 = arith.constant 2 : i32
      %dma_start3A_121 = arith.constant 0 : i32
      %dma_start3A_122 = tpu.memref_slice %arg5[%dma_start3A_119, %dma_start3A_120, %dma_start3A_121] : memref<3x4x128xi32, #tpu.memory_space<vmem>> -> memref<1x1x128xi32, #tpu.memory_space<vmem>>
      %dma_start3A_123 = tpu.memref_squeeze %dma_start3A_122 : memref<1x1x128xi32, #tpu.memory_space<vmem>> -> memref<128xi32, #tpu.memory_space<vmem>>
      %dma_start3A_124 = arith.constant 0 : i32
      %dma_start3A_125 = arith.constant 0 : i32
      %dma_start3A_126 = tpu.memref_slice %arg9[%dma_start3A_124, %dma_start3A_125] : memref<10000x128xf32, #tpu.memory_space<vmem_shared>> -> memref<10000x128xf32, #tpu.memory_space<vmem_shared>>
      tpu.enqueue_indirect_dma source(%arg8 : memref<128x128xf32, #tpu.memory_space<vmem>>) target(%dma_start3A_126 : memref<10000x128xf32, #tpu.memory_space<vmem_shared>>) offsets(%dma_start3A_123 : memref<128xi32, #tpu.memory_space<vmem>>) semaphore(%arg15 : memref<!tpu.dma_semaphore, #tpu.memory_space<semaphore_mem>>) {add = true}
      %dma_wait3A_127 = arith.constant 0 : i32
      %dma_wait3A_128 = arith.constant 3 : i32
      %dma_wait3A_129 = arith.constant 0 : i32
      %dma_wait3A_130 = tpu.memref_slice %arg5[%dma_wait3A_127, %dma_wait3A_128, %dma_wait3A_129] : memref<3x4x128xi32, #tpu.memory_space<vmem>> -> memref<1x1x128xi32, #tpu.memory_space<vmem>>
      %dma_wait3A_131 = tpu.memref_squeeze %dma_wait3A_130 : memref<1x1x128xi32, #tpu.memory_space<vmem>> -> memref<128xi32, #tpu.memory_space<vmem>>
      %dma_wait3A_132 = arith.constant 0 : i32
      %dma_wait3A_133 = arith.constant 0 : i32
      %dma_wait3A_134 = tpu.memref_slice %arg2[%dma_wait3A_132, %dma_wait3A_133] : memref<20000x128xf32, #tpu.memory_space<hbm>> -> memref<20000x128xf32, #tpu.memory_space<hbm>>
      tpu.wait_indirect_dma semaphore(%arg10 : memref<!tpu.dma_semaphore, #tpu.memory_space<semaphore_mem>>) src(%dma_wait3A_134 : memref<20000x128xf32, #tpu.memory_space<hbm>>) dst(%arg6 : memref<128x128xf32, #tpu.memory_space<vmem>>)
      %parallel_loop3A_135 = arith.constant 0 : i32
      %parallel_loop3A_136 = arith.constant 128 : i32
      %parallel_loop3A_137 = arith.constant 1 : i32
      scf.for %parallel_loop3A_170 = %parallel_loop3A_135 to %parallel_loop3A_136 step %parallel_loop3A_137  : i32 {
        %parallel_loop3A_171 = arith.constant 2 : i32
        %parallel_loop3A_172 = vector.broadcast %parallel_loop3A_171 : i32 to vector<16xi32>
        %parallel_loop3A_173 = arith.constant 3 : i32
        %parallel_loop3A_174 = vector.broadcast %parallel_loop3A_173 : i32 to vector<16xi32>
        %parallel_loop3A_175 = vector.broadcast %parallel_loop3A_170 : i32 to vector<16xi32>
        %parallel_loop3A_176 = tpu.vector_load_idx %arg5[%parallel_loop3A_172, %parallel_loop3A_174, %parallel_loop3A_175] : memref<3x4x128xi32, #tpu.memory_space<vmem>>[vector<16xi32>, vector<16xi32>, vector<16xi32>], vector<16xi32>,
        %parallel_loop3A_177 = vector.bitcast %parallel_loop3A_176 : vector<16xi32> to vector<16xf32>
        %parallel_loop3A_178 = arith.index_cast %parallel_loop3A_170 : i32 to index
        %parallel_loop3A_179 = arith.constant 0 : index
        %parallel_loop3A_180 = tpu.vector_load %arg6[%parallel_loop3A_178, %parallel_loop3A_179] {strides = array<i32>} : memref<128x128xf32, #tpu.memory_space<vmem>>, vector<16xf32>,
        %parallel_loop3A_181 = arith.mulf %parallel_loop3A_180, %parallel_loop3A_177 : vector<16xf32>
        %parallel_loop3A_182 = arith.index_cast %parallel_loop3A_170 : i32 to index
        %parallel_loop3A_183 = arith.constant 0 : index
        %parallel_loop3A_184 = tpu.vector_load %arg6[%parallel_loop3A_182, %parallel_loop3A_183] {strides = array<i32>} : memref<128x128xf32, #tpu.memory_space<vmem>>, vector<16xf32>,
        tpu.vector_store %arg6[%parallel_loop3A_182, %parallel_loop3A_183], %parallel_loop3A_181 {strides = array<i32>} : memref<128x128xf32, #tpu.memory_space<vmem>>, vector<16xf32>,
        %parallel_loop3A_185 = arith.index_cast %parallel_loop3A_170 : i32 to index
        %parallel_loop3A_186 = arith.constant 16 : index
        %parallel_loop3A_187 = tpu.vector_load %arg6[%parallel_loop3A_185, %parallel_loop3A_186] {strides = array<i32>} : memref<128x128xf32, #tpu.memory_space<vmem>>, vector<16xf32>,
        %parallel_loop3A_188 = arith.mulf %parallel_loop3A_187, %parallel_loop3A_177 : vector<16xf32>
        %parallel_loop3A_189 = arith.index_cast %parallel_loop3A_170 : i32 to index
        %parallel_loop3A_190 = arith.constant 16 : index
        %parallel_loop3A_191 = tpu.vector_load %arg6[%parallel_loop3A_189, %parallel_loop3A_190] {strides = array<i32>} : memref<128x128xf32, #tpu.memory_space<vmem>>, vector<16xf32>,
        tpu.vector_store %arg6[%parallel_loop3A_189, %parallel_loop3A_190], %parallel_loop3A_188 {strides = array<i32>} : memref<128x128xf32, #tpu.memory_space<vmem>>, vector<16xf32>,
        %parallel_loop3A_192 = arith.index_cast %parallel_loop3A_170 : i32 to index
        %parallel_loop3A_193 = arith.constant 32 : index
        %parallel_loop3A_194 = tpu.vector_load %arg6[%parallel_loop3A_192, %parallel_loop3A_193] {strides = array<i32>} : memref<128x128xf32, #tpu.memory_space<vmem>>, vector<16xf32>,
        %parallel_loop3A_195 = arith.mulf %parallel_loop3A_194, %parallel_loop3A_177 : vector<16xf32>
        %parallel_loop3A_196 = arith.index_cast %parallel_loop3A_170 : i32 to index
        %parallel_loop3A_197 = arith.constant 32 : index
        %parallel_loop3A_198 = tpu.vector_load %arg6[%parallel_loop3A_196, %parallel_loop3A_197] {strides = array<i32>} : memref<128x128xf32, #tpu.memory_space<vmem>>, vector<16xf32>,
        tpu.vector_store %arg6[%parallel_loop3A_196, %parallel_loop3A_197], %parallel_loop3A_195 {strides = array<i32>} : memref<128x128xf32, #tpu.memory_space<vmem>>, vector<16xf32>,
        %parallel_loop3A_199 = arith.index_cast %parallel_loop3A_170 : i32 to index
        %parallel_loop3A_200 = arith.constant 48 : index
        %parallel_loop3A_201 = tpu.vector_load %arg6[%parallel_loop3A_199, %parallel_loop3A_200] {strides = array<i32>} : memref<128x128xf32, #tpu.memory_space<vmem>>, vector<16xf32>,
        %parallel_loop3A_202 = arith.mulf %parallel_loop3A_201, %parallel_loop3A_177 : vector<16xf32>
        %parallel_loop3A_203 = arith.index_cast %parallel_loop3A_170 : i32 to index
        %parallel_loop3A_204 = arith.constant 48 : index
        %parallel_loop3A_205 = tpu.vector_load %arg6[%parallel_loop3A_203, %parallel_loop3A_204] {strides = array<i32>} : memref<128x128xf32, #tpu.memory_space<vmem>>, vector<16xf32>,
        tpu.vector_store %arg6[%parallel_loop3A_203, %parallel_loop3A_204], %parallel_loop3A_202 {strides = array<i32>} : memref<128x128xf32, #tpu.memory_space<vmem>>, vector<16xf32>,
        %parallel_loop3A_206 = arith.index_cast %parallel_loop3A_170 : i32 to index
        %parallel_loop3A_207 = arith.constant 64 : index
        %parallel_loop3A_208 = tpu.vector_load %arg6[%parallel_loop3A_206, %parallel_loop3A_207] {strides = array<i32>} : memref<128x128xf32, #tpu.memory_space<vmem>>, vector<16xf32>,
        %parallel_loop3A_209 = arith.mulf %parallel_loop3A_208, %parallel_loop3A_177 : vector<16xf32>
        %parallel_loop3A_210 = arith.index_cast %parallel_loop3A_170 : i32 to index
        %parallel_loop3A_211 = arith.constant 64 : index
        %parallel_loop3A_212 = tpu.vector_load %arg6[%parallel_loop3A_210, %parallel_loop3A_211] {strides = array<i32>} : memref<128x128xf32, #tpu.memory_space<vmem>>, vector<16xf32>,
        tpu.vector_store %arg6[%parallel_loop3A_210, %parallel_loop3A_211], %parallel_loop3A_209 {strides = array<i32>} : memref<128x128xf32, #tpu.memory_space<vmem>>, vector<16xf32>,
        %parallel_loop3A_213 = arith.index_cast %parallel_loop3A_170 : i32 to index
        %parallel_loop3A_214 = arith.constant 80 : index
        %parallel_loop3A_215 = tpu.vector_load %arg6[%parallel_loop3A_213, %parallel_loop3A_214] {strides = array<i32>} : memref<128x128xf32, #tpu.memory_space<vmem>>, vector<16xf32>,
        %parallel_loop3A_216 = arith.mulf %parallel_loop3A_215, %parallel_loop3A_177 : vector<16xf32>
        %parallel_loop3A_217 = arith.index_cast %parallel_loop3A_170 : i32 to index
        %parallel_loop3A_218 = arith.constant 80 : index
        %parallel_loop3A_219 = tpu.vector_load %arg6[%parallel_loop3A_217, %parallel_loop3A_218] {strides = array<i32>} : memref<128x128xf32, #tpu.memory_space<vmem>>, vector<16xf32>,
        tpu.vector_store %arg6[%parallel_loop3A_217, %parallel_loop3A_218], %parallel_loop3A_216 {strides = array<i32>} : memref<128x128xf32, #tpu.memory_space<vmem>>, vector<16xf32>,
        %parallel_loop3A_220 = arith.index_cast %parallel_loop3A_170 : i32 to index
        %parallel_loop3A_221 = arith.constant 96 : index
        %parallel_loop3A_222 = tpu.vector_load %arg6[%parallel_loop3A_220, %parallel_loop3A_221] {strides = array<i32>} : memref<128x128xf32, #tpu.memory_space<vmem>>, vector<16xf32>,
        %parallel_loop3A_223 = arith.mulf %parallel_loop3A_222, %parallel_loop3A_177 : vector<16xf32>
        %parallel_loop3A_224 = arith.index_cast %parallel_loop3A_170 : i32 to index
        %parallel_loop3A_225 = arith.constant 96 : index
        %parallel_loop3A_226 = tpu.vector_load %arg6[%parallel_loop3A_224, %parallel_loop3A_225] {strides = array<i32>} : memref<128x128xf32, #tpu.memory_space<vmem>>, vector<16xf32>,
        tpu.vector_store %arg6[%parallel_loop3A_224, %parallel_loop3A_225], %parallel_loop3A_223 {strides = array<i32>} : memref<128x128xf32, #tpu.memory_space<vmem>>, vector<16xf32>,
        %parallel_loop3A_227 = arith.index_cast %parallel_loop3A_170 : i32 to index
        %parallel_loop3A_228 = arith.constant 112 : index
        %parallel_loop3A_229 = tpu.vector_load %arg6[%parallel_loop3A_227, %parallel_loop3A_228] {strides = array<i32>} : memref<128x128xf32, #tpu.memory_space<vmem>>, vector<16xf32>,
        %parallel_loop3A_230 = arith.mulf %parallel_loop3A_229, %parallel_loop3A_177 : vector<16xf32>
        %parallel_loop3A_231 = arith.index_cast %parallel_loop3A_170 : i32 to index
        %parallel_loop3A_232 = arith.constant 112 : index
        %parallel_loop3A_233 = tpu.vector_load %arg6[%parallel_loop3A_231, %parallel_loop3A_232] {strides = array<i32>} : memref<128x128xf32, #tpu.memory_space<vmem>>, vector<16xf32>,
        tpu.vector_store %arg6[%parallel_loop3A_231, %parallel_loop3A_232], %parallel_loop3A_230 {strides = array<i32>} : memref<128x128xf32, #tpu.memory_space<vmem>>, vector<16xf32>,
      } {sc.loop_unroll_factor = 4 : i64, sc.parallel_access}
      %dma_start3A_138 = arith.constant 1 : i32
      %dma_start3A_139 = arith.constant 3 : i32
      %dma_start3A_140 = arith.constant 0 : i32
      %dma_start3A_141 = tpu.memref_slice %arg5[%dma_start3A_138, %dma_start3A_139, %dma_start3A_140] : memref<3x4x128xi32, #tpu.memory_space<vmem>> -> memref<1x1x128xi32, #tpu.memory_space<vmem>>
      %dma_start3A_142 = tpu.memref_squeeze %dma_start3A_141 : memref<1x1x128xi32, #tpu.memory_space<vmem>> -> memref<128xi32, #tpu.memory_space<vmem>>
      %dma_start3A_143 = arith.constant 0 : i32
      %dma_start3A_144 = arith.constant 0 : i32
      %dma_start3A_145 = tpu.memref_slice %arg9[%dma_start3A_143, %dma_start3A_144] : memref<10000x128xf32, #tpu.memory_space<vmem_shared>> -> memref<10000x128xf32, #tpu.memory_space<vmem_shared>>
      tpu.enqueue_indirect_dma source(%arg6 : memref<128x128xf32, #tpu.memory_space<vmem>>) target(%dma_start3A_145 : memref<10000x128xf32, #tpu.memory_space<vmem_shared>>) offsets(%dma_start3A_142 : memref<128xi32, #tpu.memory_space<vmem>>) semaphore(%arg13 : memref<!tpu.dma_semaphore, #tpu.memory_space<semaphore_mem>>) {add = true}
      %dma_wait3A_146 = arith.constant 1 : i32
      %dma_wait3A_147 = arith.constant 3 : i32
      %dma_wait3A_148 = arith.constant 0 : i32
      %dma_wait3A_149 = tpu.memref_slice %arg5[%dma_wait3A_146, %dma_wait3A_147, %dma_wait3A_148] : memref<3x4x128xi32, #tpu.memory_space<vmem>> -> memref<1x1x128xi32, #tpu.memory_space<vmem>>
      %dma_wait3A_150 = tpu.memref_squeeze %dma_wait3A_149 : memref<1x1x128xi32, #tpu.memory_space<vmem>> -> memref<128xi32, #tpu.memory_space<vmem>>
      %dma_wait3A_151 = arith.constant 0 : i32
      %dma_wait3A_152 = arith.constant 0 : i32
      %dma_wait3A_153 = tpu.memref_slice %arg9[%dma_wait3A_151, %dma_wait3A_152] : memref<10000x128xf32, #tpu.memory_space<vmem_shared>> -> memref<10000x128xf32, #tpu.memory_space<vmem_shared>>
      tpu.wait_indirect_dma semaphore(%arg13 : memref<!tpu.dma_semaphore, #tpu.memory_space<semaphore_mem>>) src(%arg6 : memref<128x128xf32, #tpu.memory_space<vmem>>) dst(%dma_wait3A_153 : memref<10000x128xf32, #tpu.memory_space<vmem_shared>>)
      %dma_wait3A_154 = arith.constant 1 : i32
      %dma_wait3A_155 = arith.constant 2 : i32
      %dma_wait3A_156 = arith.constant 0 : i32
      %dma_wait3A_157 = tpu.memref_slice %arg5[%dma_wait3A_154, %dma_wait3A_155, %dma_wait3A_156] : memref<3x4x128xi32, #tpu.memory_space<vmem>> -> memref<1x1x128xi32, #tpu.memory_space<vmem>>
      %dma_wait3A_158 = tpu.memref_squeeze %dma_wait3A_157 : memref<1x1x128xi32, #tpu.memory_space<vmem>> -> memref<128xi32, #tpu.memory_space<vmem>>
      %dma_wait3A_159 = arith.constant 0 : i32
      %dma_wait3A_160 = arith.constant 0 : i32
      %dma_wait3A_161 = tpu.memref_slice %arg9[%dma_wait3A_159, %dma_wait3A_160] : memref<10000x128xf32, #tpu.memory_space<vmem_shared>> -> memref<10000x128xf32, #tpu.memory_space<vmem_shared>>
      tpu.wait_indirect_dma semaphore(%arg15 : memref<!tpu.dma_semaphore, #tpu.memory_space<semaphore_mem>>) src(%arg8 : memref<128x128xf32, #tpu.memory_space<vmem>>) dst(%dma_wait3A_161 : memref<10000x128xf32, #tpu.memory_space<vmem_shared>>)
      %dma_wait3A_162 = arith.constant 1 : i32
      %dma_wait3A_163 = arith.constant 1 : i32
      %dma_wait3A_164 = arith.constant 0 : i32
      %dma_wait3A_165 = tpu.memref_slice %arg5[%dma_wait3A_162, %dma_wait3A_163, %dma_wait3A_164] : memref<3x4x128xi32, #tpu.memory_space<vmem>> -> memref<1x1x128xi32, #tpu.memory_space<vmem>>
      %dma_wait3A_166 = tpu.memref_squeeze %dma_wait3A_165 : memref<1x1x128xi32, #tpu.memory_space<vmem>> -> memref<128xi32, #tpu.memory_space<vmem>>
      %dma_wait3A_167 = arith.constant 0 : i32
      %dma_wait3A_168 = arith.constant 0 : i32
      %dma_wait3A_169 = tpu.memref_slice %arg9[%dma_wait3A_167, %dma_wait3A_168] : memref<10000x128xf32, #tpu.memory_space<vmem_shared>> -> memref<10000x128xf32, #tpu.memory_space<vmem_shared>>
      tpu.wait_indirect_dma semaphore(%arg14 : memref<!tpu.dma_semaphore, #tpu.memory_space<semaphore_mem>>) src(%arg7 : memref<128x128xf32, #tpu.memory_space<vmem>>) dst(%dma_wait3A_169 : memref<10000x128xf32, #tpu.memory_space<vmem_shared>>)
    }
    %scan3A_21 = arith.constant 40 : i32
    %barrier3A_22 = arith.constant 0 : index
    tpu.barrier barrier_id(%barrier3A_22)
    "tpu.region"() ({
      %run_scoped3A = tpu.sem_alloc : memref<!tpu.dma_semaphore, #tpu.memory_space<semaphore_mem>>
      %dma_start3A = arith.constant 0 : i32
      %dma_start3A_28 = tpu.memref_slice %arg4[%arg0, %mul3A_5, %dma_start3A] : memref<2x10000x128xf32, #tpu.memory_space<hbm>> -> memref<1x624x128xf32, #tpu.memory_space<hbm>>
      %dma_start3A_29 = tpu.memref_squeeze %dma_start3A_28 : memref<1x624x128xf32, #tpu.memory_space<hbm>> -> memref<624x128xf32, #tpu.memory_space<hbm>>
      %dma_start3A_30 = arith.constant 0 : i32
      %dma_start3A_31 = tpu.memref_slice %arg9[%mul3A_5, %dma_start3A_30] : memref<10000x128xf32, #tpu.memory_space<vmem_shared>> -> memref<624x128xf32, #tpu.memory_space<vmem_shared>>
      tpu.enqueue_dma source(%dma_start3A_31 : memref<624x128xf32, #tpu.memory_space<vmem_shared>>) target(%dma_start3A_29 : memref<624x128xf32, #tpu.memory_space<hbm>>) target_semaphore(%run_scoped3A : memref<!tpu.dma_semaphore, #tpu.memory_space<semaphore_mem>>)
      %dma_wait3A = arith.constant 0 : i32
      %dma_wait3A_32 = tpu.memref_slice %arg4[%arg0, %mul3A_5, %dma_wait3A] : memref<2x10000x128xf32, #tpu.memory_space<hbm>> -> memref<1x624x128xf32, #tpu.memory_space<hbm>>
      %dma_wait3A_33 = tpu.memref_squeeze %dma_wait3A_32 : memref<1x624x128xf32, #tpu.memory_space<hbm>> -> memref<624x128xf32, #tpu.memory_space<hbm>>
      %dma_wait3A_34 = arith.constant 0 : i32
      %dma_wait3A_35 = tpu.memref_slice %arg9[%mul3A_5, %dma_wait3A_34] : memref<10000x128xf32, #tpu.memory_space<vmem_shared>> -> memref<624x128xf32, #tpu.memory_space<vmem_shared>>
      tpu.wait_dma2 semaphore(%run_scoped3A : memref<!tpu.dma_semaphore, #tpu.memory_space<semaphore_mem>>) src(%dma_wait3A_35 : memref<624x128xf32, #tpu.memory_space<vmem_shared>>) dst(%dma_wait3A_33 : memref<624x128xf32, #tpu.memory_space<hbm>>)
      tpu.yield
    }) : () -> ()
    %eq3A_23 = arith.constant 15 : i32
    %eq3A_24 = arith.cmpi eq, %arg1, %eq3A_23 : i32
    %convert_element_type3A_25 = arith.extui %eq3A_24 : i1 to i32
    %cond3A_26 = arith.constant 0 : i32
    %cond3A_27 = arith.cmpi ne, %convert_element_type3A_25, %cond3A_26 : i32
    scf.if %cond3A_27 {
      "tpu.region"() ({
        %run_scoped3A = tpu.sem_alloc : memref<!tpu.dma_semaphore, #tpu.memory_space<semaphore_mem>>
        %dma_start3A = arith.constant 9984 : i32
        %dma_start3A_28 = arith.constant 0 : i32
        %dma_start3A_29 = tpu.memref_slice %arg4[%arg0, %dma_start3A, %dma_start3A_28] : memref<2x10000x128xf32, #tpu.memory_space<hbm>> -> memref<1x16x128xf32, #tpu.memory_space<hbm>>
        %dma_start3A_30 = tpu.memref_squeeze %dma_start3A_29 : memref<1x16x128xf32, #tpu.memory_space<hbm>> -> memref<16x128xf32, #tpu.memory_space<hbm>>
        %dma_start3A_31 = arith.constant 9984 : i32
        %dma_start3A_32 = arith.constant 0 : i32
        %dma_start3A_33 = tpu.memref_slice %arg9[%dma_start3A_31, %dma_start3A_32] : memref<10000x128xf32, #tpu.memory_space<vmem_shared>> -> memref<16x128xf32, #tpu.memory_space<vmem_shared>>
        tpu.enqueue_dma source(%dma_start3A_33 : memref<16x128xf32, #tpu.memory_space<vmem_shared>>) target(%dma_start3A_30 : memref<16x128xf32, #tpu.memory_space<hbm>>) target_semaphore(%run_scoped3A : memref<!tpu.dma_semaphore, #tpu.memory_space<semaphore_mem>>)
        %dma_wait3A = arith.constant 9984 : i32
        %dma_wait3A_34 = arith.constant 0 : i32
        %dma_wait3A_35 = tpu.memref_slice %arg4[%arg0, %dma_wait3A, %dma_wait3A_34] : memref<2x10000x128xf32, #tpu.memory_space<hbm>> -> memref<1x16x128xf32, #tpu.memory_space<hbm>>
        %dma_wait3A_36 = tpu.memref_squeeze %dma_wait3A_35 : memref<1x16x128xf32, #tpu.memory_space<hbm>> -> memref<16x128xf32, #tpu.memory_space<hbm>>
        %dma_wait3A_37 = arith.constant 9984 : i32
        %dma_wait3A_38 = arith.constant 0 : i32
        %dma_wait3A_39 = tpu.memref_slice %arg9[%dma_wait3A_37, %dma_wait3A_38] : memref<10000x128xf32, #tpu.memory_space<vmem_shared>> -> memref<16x128xf32, #tpu.memory_space<vmem_shared>>
        tpu.wait_dma2 semaphore(%run_scoped3A : memref<!tpu.dma_semaphore, #tpu.memory_space<semaphore_mem>>) src(%dma_wait3A_39 : memref<16x128xf32, #tpu.memory_space<vmem_shared>>) dst(%dma_wait3A_36 : memref<16x128xf32, #tpu.memory_space<hbm>>)
        tpu.yield
      }) : () -> ()
    } else {
    }
    return
  }
}

module attributes {stable_mosaic.version = 14 : i64} {
  func.func @_mm_body(%arg0: i32, %arg1: memref<1000x128xf32, #tpu.memory_space<vmem>>, %arg2: memref<128x128xf32, #tpu.memory_space<vmem>>, %arg3: memref<128x128xf32, #tpu.memory_space<vmem>>, %arg4: memref<128x128xf32, #tpu.memory_space<vmem>>, %arg5: memref<2x1000x128xf32, #tpu.memory_space<vmem>>) attributes {dimension_semantics = [#tpu.dimension_semantics<arbitrary>], iteration_bounds = array<i64: 10>, scalar_prefetch = 0 : i64, scratch_operands = 0 : i64, tpu.core_type = #tpu.core_type<tc>, window_params = [{transform_indices = @transform_0, window_bounds = array<i64: 1000, 128>}, {pipeline_mode = #tpu.pipeline_mode<synchronous>, transform_indices = @transform_1, window_bounds = array<i64: 128, 128>}, {pipeline_mode = #tpu.pipeline_mode<synchronous>, transform_indices = @transform_2, window_bounds = array<i64: 128, 128>}, {pipeline_mode = #tpu.pipeline_mode<synchronous>, transform_indices = @transform_3, window_bounds = array<i64: 128, 128>}, {transform_indices = @transform_4, window_bounds = array<i64: 2, 1000, 128>}]} {
    %get3A = arith.constant 0 : index
    %get3A_0 = arith.constant 0 : index
    %get3A_1 = vector.load %arg1[%get3A, %get3A_0] : memref<1000x128xf32, #tpu.memory_space<vmem>>, vector<1000x128xf32>
    %get3A_2 = arith.constant 0 : index
    %get3A_3 = arith.constant 0 : index
    %get3A_4 = vector.load %arg2[%get3A_2, %get3A_3] : memref<128x128xf32, #tpu.memory_space<vmem>>, vector<128x128xf32>
    %get3A_5 = arith.constant 0 : index
    %get3A_6 = arith.constant 0 : index
    %get3A_7 = vector.load %arg3[%get3A_5, %get3A_6] : memref<128x128xf32, #tpu.memory_space<vmem>>, vector<128x128xf32>
    %add3A = arith.addf %get3A_4, %get3A_7 : vector<128x128xf32>
    %dot_general3A = arith.constant dense<0.000000e+00> : vector<1000x128xf32>
    %dot_general3A_8 = tpu.matmul %get3A_1, %add3A, %dot_general3A {dimension_numbers = #tpu.dot_dimension_numbers<[1], [0], [0], [1], [0, 0, 1, 1], [], []>, transpose_lhs_hint = false} : vector<1000x128xf32>, vector<128x128xf32>, vector<1000x128xf32> -> vector<1000x128xf32>
    %swap3A = arith.constant 0 : index
    %swap3A_9 = arith.constant 0 : index
    %swap3A_10 = arith.constant 0 : index
    %swap3A_11 = vector.load %arg5[%swap3A, %swap3A_9, %swap3A_10] : memref<2x1000x128xf32, #tpu.memory_space<vmem>>, vector<1x1000x128xf32>
    %swap3A_12 = vector.shape_cast %swap3A_11 : vector<1x1000x128xf32> to vector<1000x128xf32>
    %swap3A_13 = vector.shape_cast %dot_general3A_8 : vector<1000x128xf32> to vector<1x1000x128xf32>
    tpu.vector_store %arg5[%swap3A, %swap3A_9, %swap3A_10], %swap3A_13 {strides = array<i32>} : memref<2x1000x128xf32, #tpu.memory_space<vmem>>, vector<1x1000x128xf32>,
    %get3A_14 = arith.constant 0 : index
    %get3A_15 = arith.constant 0 : index
    %get3A_16 = vector.load %arg4[%get3A_14, %get3A_15] : memref<128x128xf32, #tpu.memory_space<vmem>>, vector<128x128xf32>
    %add3A_17 = arith.addf %get3A_4, %get3A_16 : vector<128x128xf32>
    %dot_general3A_18 = arith.constant dense<0.000000e+00> : vector<1000x128xf32>
    %dot_general3A_19 = tpu.matmul %get3A_1, %add3A_17, %dot_general3A_18 {dimension_numbers = #tpu.dot_dimension_numbers<[1], [0], [0], [1], [0, 0, 1, 1], [], []>, transpose_lhs_hint = false} : vector<1000x128xf32>, vector<128x128xf32>, vector<1000x128xf32> -> vector<1000x128xf32>
    %swap3A_20 = arith.constant 1 : index
    %swap3A_21 = arith.constant 0 : index
    %swap3A_22 = arith.constant 0 : index
    %swap3A_23 = vector.load %arg5[%swap3A_20, %swap3A_21, %swap3A_22] : memref<2x1000x128xf32, #tpu.memory_space<vmem>>, vector<1x1000x128xf32>
    %swap3A_24 = vector.shape_cast %swap3A_23 : vector<1x1000x128xf32> to vector<1000x128xf32>
    %swap3A_25 = vector.shape_cast %dot_general3A_19 : vector<1000x128xf32> to vector<1x1000x128xf32>
    tpu.vector_store %arg5[%swap3A_20, %swap3A_21, %swap3A_22], %swap3A_25 {strides = array<i32>} : memref<2x1000x128xf32, #tpu.memory_space<vmem>>, vector<1x1000x128xf32>,
    return
  }
  func.func @transform_0(%arg0: i32) -> (i32, i32) {
    %c0_i32 = arith.constant 0 : i32
    %c0_i32_0 = arith.constant 0 : i32
    return %arg0, %c0_i32 : i32, i32
  }
  func.func @transform_1(%arg0: i32) -> (i32, i32) {
    %c0_i32 = arith.constant 0 : i32
    %c0_i32_0 = arith.constant 0 : i32
    %c0_i32_1 = arith.constant 0 : i32
    return %c0_i32, %c0_i32_0 : i32, i32
  }
  func.func @transform_2(%arg0: i32) -> (i32, i32) {
    %c0_i32 = arith.constant 0 : i32
    %c0_i32_0 = arith.constant 0 : i32
    %c0_i32_1 = arith.constant 0 : i32
    return %c0_i32, %c0_i32_0 : i32, i32
  }
  func.func @transform_3(%arg0: i32) -> (i32, i32) {
    %c0_i32 = arith.constant 0 : i32
    %c0_i32_0 = arith.constant 0 : i32
    %c0_i32_1 = arith.constant 0 : i32
    return %c0_i32, %c0_i32_0 : i32, i32
  }
  func.func @transform_4(%arg0: i32) -> (i32, i32, i32) {
    %c0_i32 = arith.constant 0 : i32
    %c0_i32_0 = arith.constant 0 : i32
    %c0_i32_1 = arith.constant 0 : i32
    return %c0_i32, %arg0, %c0_i32_0 : i32, i32, i32
  }
}

module attributes {stable_mosaic.version = 14 : i64} {
  func.func @_combine_body(%arg0: i32, %arg1: memref<2x1000x128xf32, #tpu.memory_space<vmem>>, %arg2: memref<1000x128xf32, #tpu.memory_space<vmem>>, %arg3: memref<128x128xf32, #tpu.memory_space<vmem>>, %arg4: memref<1000x128xf32, #tpu.memory_space<vmem>>) attributes {dimension_semantics = [#tpu.dimension_semantics<arbitrary>], iteration_bounds = array<i64: 10>, scalar_prefetch = 0 : i64, scratch_operands = 0 : i64, tpu.core_type = #tpu.core_type<tc>, window_params = [{transform_indices = @transform_0, window_bounds = array<i64: 2, 1000, 128>}, {transform_indices = @transform_1, window_bounds = array<i64: 1000, 128>}, {pipeline_mode = #tpu.pipeline_mode<synchronous>, transform_indices = @transform_2, window_bounds = array<i64: 128, 128>}, {transform_indices = @transform_3, window_bounds = array<i64: 1000, 128>}]} {
    %get3A = arith.constant 0 : index
    %get3A_0 = arith.constant 0 : index
    %get3A_1 = vector.load %arg2[%get3A, %get3A_0] : memref<1000x128xf32, #tpu.memory_space<vmem>>, vector<1000x128xf32>
    %get3A_2 = arith.constant 0 : index
    %get3A_3 = arith.constant 0 : index
    %get3A_4 = vector.load %arg3[%get3A_2, %get3A_3] : memref<128x128xf32, #tpu.memory_space<vmem>>, vector<128x128xf32>
    %dot_general3A = arith.constant dense<0.000000e+00> : vector<1000x128xf32>
    %dot_general3A_5 = tpu.matmul %get3A_1, %get3A_4, %dot_general3A {dimension_numbers = #tpu.dot_dimension_numbers<[1], [0], [0], [1], [0, 0, 1, 1], [], []>, transpose_lhs_hint = false} : vector<1000x128xf32>, vector<128x128xf32>, vector<1000x128xf32> -> vector<1000x128xf32>
    %get3A_6 = arith.constant 0 : index
    %get3A_7 = arith.constant 0 : index
    %get3A_8 = arith.constant 0 : index
    %get3A_9 = vector.load %arg1[%get3A_6, %get3A_7, %get3A_8] : memref<2x1000x128xf32, #tpu.memory_space<vmem>>, vector<1x1000x128xf32>
    %get3A_10 = vector.shape_cast %get3A_9 : vector<1x1000x128xf32> to vector<1000x128xf32>
    %get3A_11 = arith.constant 1 : index
    %get3A_12 = arith.constant 0 : index
    %get3A_13 = arith.constant 0 : index
    %get3A_14 = vector.load %arg1[%get3A_11, %get3A_12, %get3A_13] : memref<2x1000x128xf32, #tpu.memory_space<vmem>>, vector<1x1000x128xf32>
    %get3A_15 = vector.shape_cast %get3A_14 : vector<1x1000x128xf32> to vector<1000x128xf32>
    %add3A = arith.addf %get3A_10, %get3A_15 : vector<1000x128xf32>
    %sub3A = arith.subf %add3A, %dot_general3A_5 : vector<1000x128xf32>
    %mul3A = arith.constant 0.333333343 : f32
    %mul3A_16 = vector.broadcast %mul3A : f32 to vector<1000x128xf32>
    %mul3A_17 = arith.mulf %sub3A, %mul3A_16 : vector<1000x128xf32>
    %swap3A = arith.constant 0 : index
    %swap3A_18 = arith.constant 0 : index
    %swap3A_19 = vector.load %arg4[%swap3A, %swap3A_18] : memref<1000x128xf32, #tpu.memory_space<vmem>>, vector<1000x128xf32>
    tpu.vector_store %arg4[%swap3A, %swap3A_18], %mul3A_17 {strides = array<i32>} : memref<1000x128xf32, #tpu.memory_space<vmem>>, vector<1000x128xf32>,
    return
  }
  func.func @transform_0(%arg0: i32) -> (i32, i32, i32) {
    %c0_i32 = arith.constant 0 : i32
    %c0_i32_0 = arith.constant 0 : i32
    %c0_i32_1 = arith.constant 0 : i32
    return %c0_i32, %arg0, %c0_i32_0 : i32, i32, i32
  }
  func.func @transform_1(%arg0: i32) -> (i32, i32) {
    %c0_i32 = arith.constant 0 : i32
    %c0_i32_0 = arith.constant 0 : i32
    return %arg0, %c0_i32 : i32, i32
  }
  func.func @transform_2(%arg0: i32) -> (i32, i32) {
    %c0_i32 = arith.constant 0 : i32
    %c0_i32_0 = arith.constant 0 : i32
    %c0_i32_1 = arith.constant 0 : i32
    return %c0_i32, %c0_i32_0 : i32, i32
  }
  func.func @transform_3(%arg0: i32) -> (i32, i32) {
    %c0_i32 = arith.constant 0 : i32
    %c0_i32_0 = arith.constant 0 : i32
    return %arg0, %c0_i32 : i32, i32
  }
}

</mosaic_0001>

<sc_bundles>
// kernel: kernel.5.cloned.1.call-start
scs
__scs_entry_jumppad:
0x0: {  	(pc) =	sbr.rel $0x88, $3  }
0x1: {  	(tag) =	ssettag $0x0;
	lr =	simm.s32 $0x1  }
0x2: {  	[smem:$0x3F99] =	sst lr;
	_ =	strace $0xD0000000  }
0x3: {  	_ = 	snop  }
0x4: {  	_ = 	snop  }
0x5: {  	_ = 	snop  }
0x6: {  	_ = 	snop  }
0x7: {  	_ = 	snop  }
__scs_overlays_trampoline_lowered:
0x8: {  	[smem:$0x3FA8] =	sst s0  }
0x9: {  	[smem:$0x3FA9] =	sst s1  }
0xa: {  	[smem:$0x3FAA] =	sst s2  }
0xb: {  	[smem:$0x3FAB] =	sst s3  }
0xc: {  	[smem:$0x3FAC] =	sst s4  }
0xd: {  	[smem:$0x3FAD] =	sst s5  }
0xe: {  	[smem:$0x3FAE] =	sst s6  }
0xf: {  	[smem:$0x3FAF] =	sst s7  }
0x10: {  	[smem:$0x3FB0] =	sst s8  }
0x11: {  	[smem:$0x3FB1] =	sst s9;
	s0 =	simm.s32 @!p0 $0x0  }
0x12: {  	s1 =	sld [smem:$0x3F97];
	s0 =	simm.s32 @p0 $0x1  }
0x13: {  	[smem:$0x3FB2] =	sst s0;
	s0 =	simm.s32 @!p1 $0x0  }
0x14: {  	s2 =	sld [smem:$0x3F96];
	s0 =	simm.s32 @p1 $0x1  }
0x15: {  	[smem:$0x3FB3] =	sst s0;
	s0 =	simm.s32 @!p2 $0x0  }
0x16: {  	s3 =	sld [smem:$0x3FDB];
	s0 =	simm.s32 @p2 $0x1  }
0x17: {  	s4 =	simm.s32 $0x1BF5;
	[smem:$0x3FB5] =	sst s0  }
0x18: {  	s0 =	sld [smem:$0x3F98];
	_ =	swait.ge [sflag:s4], $0x0  }
0x19: {  	s7 =	sld [smem:$0x3F99]  }
0x1a: {  	s8 =	sadd.s32 $0xFFFFE003, lr  }
0x1b: {  	s9 =	sadd.s32 $0xFFFFFEF7, lr;
	s5 =	simm.s32 $0xFFFFFFFF;
	p2 =	slt.u32 s8, $0xFFFFF086  }
0x1c: {  	p1 =	slt.u32 s9, $0xF7A;
	s5 =	simm.s32 @!p2 $0x0  }
0x1d: {  	s5 =	simm.s32 @p1 $0x1;
	p0 =	seq.s32 s7, s2  }
0x1e: {  	s7 =	smul.u32 @!p0 $0xF7A, s2;
	p2 =	seq.s32 @!p0 s5, $0x0  }
0x1f: {  	s9 =	smul.u32 $0xF7A, s1;
	s8 =	simm.s32 @!p0 $0x1BF5;
	p2 =	por !p2, p0  }
0x20: {  	[sflag:s8] =	ssyncset.s32 @!p0 $0xFFFFF086;
	s6 =	sadd.s32 @!p0 s3, s7;
	s7 =	simm.s32 @!p0 $0x108  }
0x21: {  	s3 =	sadd.s32 s3, s9;
	s6 =	sadd.s32 @!p0 $0x88, s6;
	s7 =	simm.s32 @p2 $0x1082  }
0x22: {  	[simem:s7], [sflag:s8] =	dma.local @!p0 [hbm:s6], $0xF7A  }
0x23: {  	s9 =	sor.u32 $0xD0000000, s2;
	s6 =	simm.s32 $0x108;
	_ =	swait.ge @!p0 [sflag:s8], $0x0  }
0x24: {  	s3 =	sadd.s32 $0x88, s3;
	s6 =	simm.s32 @!p1 $0x1082;
	[sflag:s4] =	ssyncset.s32 $0xFFFFF086  }
0x25: {  	[simem:s6], [sflag:s4] =	dma.local [hbm:s3], $0xF7A  }
0x26: {  	[smem:$0x3F99] =	sst s1;
	(tag) =	ssettag s2;
	_ =	strace s9  }
0x27: {  	s1 =	sld [smem:$0x3FA9]  }
0x28: {  	s2 =	sld [smem:$0x3FAA]  }
0x29: {  	s4 =	sld [smem:$0x3FAC]  }
0x2a: {  	p0 =	seq.s32 s5, $0x0;
	s5 =	sld [smem:$0x3FAD]  }
0x2b: {  	s6 =	sld [smem:$0x3FAE]  }
0x2c: {  	s7 =	sld [smem:$0x3FAF]  }
0x2d: {  	s3 =	simm.s32 $0x108;
	s8 =	sld [smem:$0x3FB0]  }
0x2e: {  	s3 =	simm.s32 @!p0 $0x1082;
	s9 =	sld [smem:$0x3FB1]  }
0x2f: {  	lr =	sadd.s32 s0, s3;
	s0 =	sld [smem:$0x3FA8]  }
0x30: {  	s3 =	sld [smem:$0x3FAB]  }
0x31: {  	[smem:$0x3FB4] =	sst s10  }
0x32: {  	s10 =	sld [smem:$0x3FB2];
	_ =	sdelay $0x3  }
0x33: {  	p0 =	seq.s32 s10, $0x1;
	s10 =	sld [smem:$0x3FB4];
	_ =	sdelay $0x3  }
0x34: {  	[smem:$0x3FB4] =	sst s10  }
0x35: {  	s10 =	sld [smem:$0x3FB3];
	_ =	sdelay $0x3  }
0x36: {  	p1 =	seq.s32 s10, $0x1;
	s10 =	sld [smem:$0x3FB4];
	_ =	sdelay $0x3  }
0x37: {  	[smem:$0x3FB4] =	sst s10  }
0x38: {  	s10 =	sld [smem:$0x3FB5]  }
0x39: {  	_ = 	snop;
	(pc) =	sbr.ind lr, $3  }
0x3a: {  	_ = 	snop  }
0x3b: {  	_ = 	snop  }
0x3c: {  	p2 =	seq.s32 s10, $0x1;
	s10 =	sld [smem:$0x3FB4]  }
0x3d: {  	_ =	shalt  }
0x3e: {  	_ =	shalt  }
0x3f: {  	_ =	shalt  }
0x40: {  	_ =	shalt  }
0x41: {  	_ =	shalt  }
0x42: {  	_ =	shalt  }
0x43: {  	_ =	shalt  }
0x44: {  	_ =	shalt  }
0x45: {  	_ =	shalt  }
0x46: {  	_ =	shalt  }
0x47: {  	_ =	shalt  }
0x48: {  	_ =	shalt  }
0x49: {  	_ =	shalt  }
0x4a: {  	_ =	shalt  }
0x4b: {  	_ =	shalt  }
0x4c: {  	_ =	shalt  }
0x4d: {  	_ =	shalt  }
0x4e: {  	_ =	shalt  }
0x4f: {  	_ =	shalt  }
0x50: {  	_ =	shalt  }
0x51: {  	_ =	shalt  }
0x52: {  	_ =	shalt  }
0x53: {  	_ =	shalt  }
0x54: {  	_ =	shalt  }
0x55: {  	_ =	shalt  }
0x56: {  	_ =	shalt  }
0x57: {  	_ =	shalt  }
0x58: {  	_ =	shalt  }
0x59: {  	_ =	shalt  }
0x5a: {  	_ =	shalt  }
0x5b: {  	_ =	shalt  }
0x5c: {  	_ =	shalt  }
0x5d: {  	_ =	shalt  }
0x5e: {  	_ =	shalt  }
0x5f: {  	_ =	shalt  }
0x60: {  	_ =	shalt  }
0x61: {  	_ =	shalt  }
0x62: {  	_ =	shalt  }
0x63: {  	_ =	shalt  }
0x64: {  	_ =	shalt  }
0x65: {  	_ =	shalt  }
0x66: {  	_ =	shalt  }
0x67: {  	_ =	shalt  }
0x68: {  	_ =	shalt  }
0x69: {  	_ =	shalt  }
0x6a: {  	_ =	shalt  }
0x6b: {  	_ =	shalt  }
0x6c: {  	_ =	shalt  }
0x6d: {  	_ =	shalt  }
0x6e: {  	_ =	shalt  }
0x6f: {  	_ =	shalt  }
0x70: {  	_ =	shalt  }
0x71: {  	_ =	shalt  }
0x72: {  	_ =	shalt  }
0x73: {  	_ =	shalt  }
0x74: {  	_ =	shalt  }
0x75: {  	_ =	shalt  }
0x76: {  	_ =	shalt  }
0x77: {  	_ =	shalt  }
0x78: {  	_ =	shalt  }
0x79: {  	_ =	shalt  }
0x7a: {  	_ =	shalt  }
0x7b: {  	_ =	shalt  }
0x7c: {  	_ =	shalt  }
0x7d: {  	_ =	shalt  }
0x7e: {  	_ =	shalt  }
0x7f: {  	_ =	shalt  }
0x80: {  	_ =	shalt  }
0x81: {  	_ =	shalt  }
0x82: {  	_ =	shalt  }
0x83: {  	_ =	shalt  }
0x84: {  	_ =	shalt  }
0x85: {  	_ =	shalt  }
0x86: {  	_ =	shalt  }
0x87: {  	_ =	shalt  }
.Lfunc_end0:
.L_simem_size_0:
called_computation_lowered:
.L_overlay_start_0:
0x88: {  	s2 =	sld [smem:$0x3FD9]  }
0x89: {  	s3 =	sld [smem:$0x3FFE];
	_ =	sdelay $0x1  }
0x8a: {  	s1 =	srdreg.scid  }
0x8b: {  	s0 =	sand.u32 $0x1, s1  }
0x8c: {  	s16 =	sshll.u32 s0, $0xA;
	s2 =	sadd.s32 s3, s2  }
0x8d: {  	s2 =	sadd.s32 s2, s16  }
0x8e: {  	[smem:$0x3FC0] =	sst s2  }
0x8f: {  	_ = 	snop  }
0x90: {  	(tm) =	ssettm $0x1  }
0x91: {  	s17 =	sld [smem:$0x3FFB];
	_ =	sdelay $0x3  }
0x92: {  	_ =	strace s17  }
0x93: {  	s2 =	sld [smem:$0x3FFC];
	_ =	sdelay $0x3  }
0x94: {  	_ =	strace s2  }
0x95: {  	s2 =	sld [smem:$0x3FFD];
	_ =	sdelay $0x3  }
0x96: {  	_ =	strace s2  }
0x97: {  	_ =	strace $0x8FFFFFFF  }
0x98: {  	s18 =	sld [smem:$0x3FDB];
	_ =	sdelay $0x1  }
0x99: {  	s19 =	simm.s32 $_scs_section_size  }
0x9a: {  	s4 =	simm.s32 $_size__tile_overlayer_lowered;
	s5 =	simm.s32 $_tile_overlayer_lowered  }
0x9b: {  	s22 =	simm.s32 $0x1BFF;
	s21 =	sshll.u32 s5, $0x1;
	s2 =	sadd.s32 s19, s18  }
0x9c: {  	s6 =	simm.s32 $0x0;
	s20 =	sshll.u32 s4, $0x1;
	s4 =	sadd.s32 s21, s2  }
0x9d: {  	[timem:s6], [sflag:s22] =	dma.local [hbm:s4], s20  }
0x9e: {  	_ =	swait.ge [sflag:s22], s20  }
0x9f: {  	s3 =	ssub.s32 $0x0, s20;
	[sflag:s22] =	ssyncset.done $0x0  }
0xa0: {  	[sflag:s22] =	ssyncadd.s32 s3;
	_ =	sdelay $0x1  }
0xa1: {  	s23 =	simm.s32 $0x1B8B  }
0xa2: {  	_ =	swait.ge [sflag:s23], $0x1  }
0xa3: {  	[sflag:s23] =	ssyncset.done $0x0  }
0xa4: {  	s25 =	simm.s32 $0x1B8E;
	s24 =	sld [smem:$0x3FFE];
	[sflag:s23] =	ssyncadd.s32 $0xFFFFFFFF  }
0xa5: {  	s26 =	simm.s32 $execute0_lowered;
	[smem:$0x3FD2] =	sst s25  }
0xa6: {  	s4 =	sshll.u32 s26, $0x1;
	_ =	strace $0x80000046;
	[dreg:$0x1] =	wrdreg $0xFFFFFFFF  }
0xa7: {  	s28 =	simm.s32 $_size_execute0_lowered;
	s2 =	sadd.s32 s2, s4;
	[dreg:$0x0] =	wrdreg $0x0  }
0xa8: {  	s4 =	sshll.u32 s28, $0x1;
	[dreg:$0x2] =	wrdreg s2  }
0xa9: {  	[dreg:$0x3] =	wrdreg s4  }
0xaa: {  	[dreg:$0x4] =	wrdreg $0xC0  }
0xab: {  	_ =	task [dreg:s6], $0x5FFFF  }
0xac: {  	[dreg:$0x1] =	wrdreg $0xFFFFFFFF  }
0xad: {  	[dreg:$0x0] =	wrdreg $0x60  }
0xae: {  	[dreg:$0x2] =	wrdreg s24  }
0xaf: {  	[dreg:$0x3] =	wrdreg $0xC6000  }
0xb0: {  	[dreg:$0x4] =	wrdreg $0x9  }
0xb1: {  	_ =	task.clear_ibuf [dreg:s6], $0x5FFFF;
	_ =	strace $0x90000046  }
0xb2: {  	s29 =	simm.s32 $0x9;
	_ =	strace $0x80000048  }
0xb3: {  	_ =	swait.ge [sflag:s29], $0x1  }
0xb4: {  	[sflag:s29] =	ssyncadd.s32 $0xFFFFFFFF  }
0xb5: {  	_ =	strace $0x90000048  }
0xb6: {  	_ =	sfence  }
0xb7: {  	s30 =	sld [smem:$0x0];
	_ =	sdelay $0x2  }
0xb8: {  	s31 =	sshll.u32 s1, $0xD;
	s1 =	sshrl.u32 s1, $0x2  }
0xb9: {  	s3 =	sand.u32 $0x4000, s31;
	s1 =	sadd.s32 s1, s30  }
0xba: {  	s0 =	sor.u32 s3, s0;
	s1 =	sshll.u32 s1, $0x11  }
0xbb: {  	s0 =	sor.u32 s1, s0  }
0xbc: {  	s0 =	sadd.s32 $0x8F2B, s0  }
0xbd: {  	[sflag:s0] =	ssyncadd.remote.s32 $0x1  }
0xbe: {  	_ =	sfence.sel $0xFFFF  }
0xbf: {  	[dreg:$0x0] =	wrdreg $0xFFFFFFFF;
	(pc) =	sbr.abs _section_cstart, $3  }
0xc0: {  	[dreg:$0x1] =	wrdreg $0xFFFFFFFF  }
0xc1: {  	_ =	task.clear_ibuf [dreg:s6], $0x2FFFF;
	_ =	strace $0x9FFFFFFF  }
0xc2: {  	(tm) =	ssettm $0x7FFFFFFF  }
0xc3: {  	_ =	shalt  }
tec
execute0_lowered:
.L_overlay_start_1:
0x0: {  	(tag) =	ssettag $0x1  }
0x1: {  	s0 =	rddreg [dreg:$0x0]  }
0x2: {  	s2 =	rddreg [dreg:$0x1];
	s3 =	simm.s32 $0x0  }
0x3: {  	s13 =	stileid.u32;
	s1 =	srdreg.scid;
	s16 =	simm.s32 $0x600  }
0x4: {  	s17 =	simm.s32 $0x7;
	s18 =	simm.s32 $0x80;
	s19 =	simm.s32 $0x4600  }
0x5: {  	s28 =	simm.s32 $0x280;
	s29 =	simm.s32 $0x3;
	s30 =	simm.s32 $0x300  }
0x6: {  	s31 =	simm.s32 $0x380;
	[smem:$0x7FF] =	sst s3;
	s6 =	smul.u32 $0x4E000, s13  }
0x7: {  	s4 =	sadd.s32 $0xA00, s0;
	s5 =	sadd.s32 $0x4EC00, s0;
	s21 =	smul.u32 $0x13800, s13  }
0x8: {  	s1 =	sand.u32 $0x1, s1;
	s0 =	sadd.s32 $0x8AC00, s0;
	s24 =	smul.u32 $0xF000, s13  }
0x9: {  	s11 =	sadd.s32 $0x138000, s2;
	p0 =	sne.s32 s13, $0xF;
	_ =	strace $0x80000047  }
0xa: {  	s7 =	ssub.s32 $0x2, s1;
	s9 =	smul.u32 $0x138800, s1;
	s6 =	sshrl.u32 s6, $0x2  }
0xb: {  	s1 =	smul.u32 $0xF0000, s1;
	s8 =	sshrl.u32 s7, $0x1;
	s6 =	sadd.s32 s6, s2  }
0xc: {  	s7 =	ssub.s32 s7, s8;
	s8 =	sadd.s32 s21, s9;
	s9 =	sshrl.u32 s9, $0x3  }
0xd: {  	s12 =	sadd.s32 s24, s1;
	s21 =	simm.s32 $0x100;
	s20 =	sadd.s32 $0x4000, s6  }
0xe: {  	s24 =	simm.s32 $0x2;
	s10 =	sadd.s32 $0x8000, s6;
	[dreg:$0x3] =	wrdreg s20  }
0xf: {  	s1 =	simm.s32 $0x5;
	s22 =	sadd.s32 $0xC000, s6;
	[dreg:$0x4] =	wrdreg s10  }
0x10: {  	s23 =	sadd.s32 $0x10000, s6;
	s8 =	sshrl.u32 s8, $0x3;
	[dreg:$0x5] =	wrdreg s22  }
0x11: {  	s26 =	smax.u32 s7, $0x1;
	s7 =	simm.s32 $0x0;
	[dreg:$0x6] =	wrdreg s23  }
0x12: {  	s25 =	sadd.s32 s0, s8;
	s0 =	sadd.s32 s0, s9;
	[dreg:$0x9] =	wrdreg s26  }
0x13: {  	s20 =	simm.s32 $0x1;
	s22 =	simm.s32 $0x8600;
	s23 =	simm.s32 $0x200  }
0x14: {  	s26 =	simm.s32 $0x180;
	[dreg:$0x7] =	wrdreg s25;
	s0 =	sadd.s32 $0x27000, s0  }
0x15: {  	v0 =	vimm.f32 $0.0e+00;
	s25 =	simm.s32 $0x4;
	[dreg:$0x8] =	wrdreg s0;
	s0 =	simm.s32 $0x6  }
.LBB2_1:
0x16: {  	s8 =	simm.s32 $0x0;
	s9 =	simm.s32 $0x200  }
.LBB2_2:
0x17: {  	p1 =	sne.s32 s9, $0xFE00;
	[tilespmem:s8+$0x670] =	vst v0  }
0x18: {  	[tilespmem:s8+$0x600] =	vst v0  }
0x19: {  	[tilespmem:s8+$0x610] =	vst v0  }
.Ltmp0:
0x1a: {  	[tilespmem:s8+$0x620] =	vst v0;
	(pc) =	sbr.rel @p1 .LBB2_2-.Ltmp0, $4  }
0x1b: {  	[tilespmem:s8+$0x630] =	vst v0  }
0x1c: {  	[tilespmem:s8+$0x640] =	vst v0  }
0x1d: {  	[tilespmem:s8+$0x650] =	vst v0  }
0x1e: {  	[tilespmem:s8+$0x660] =	vst v0;
	s8 =	sshra.s32 s9, $0x2;
	s9 =	sadd.s32 $0x200, s9  }
0x1f: {  	[tilespmem:s8+$0x670] =	vst v0  }
0x20: {  	[tilespmem:s8+$0x600] =	vst v0  }
0x21: {  	[tilespmem:s8+$0x610] =	vst v0  }
0x22: {  	[tilespmem:s8+$0x620] =	vst v0  }
0x23: {  	[tilespmem:s8+$0x630] =	vst v0  }
0x24: {  	[tilespmem:s8+$0x640] =	vst v0  }
0x25: {  	[tilespmem:s8+$0x650] =	vst v0  }
0x26: {  	[tilespmem:s8+$0x660] =	vst v0  }
0x27: {  	[spmem:s6] =	stream.linear.scatter [tilespmem:s16], [sflag:$0x7], $0x4000, $0x38;
	[tilespmem:$0x1FE80] =	vst v63  }
0x28: {  	_ =	swait.ge [sflag:s17], $0x4000  }
0x29: {  	[sflag:s17] =	ssyncset.done $0x0  }
0x2a: {  	s10 =	rddreg [dreg:$0x3];
	[sflag:s17] =	ssyncadd.s32 $0xFFFFC000  }
0x2b: {  	[spmem:s10] =	stream.linear.scatter [tilespmem:s16], [sflag:$0x7], $0x4000, $0x38;
	[tilespmem:$0x1FE80] =	vst v63  }
0x2c: {  	_ =	swait.ge [sflag:s17], $0x4000  }
0x2d: {  	[sflag:s17] =	ssyncset.done $0x0  }
0x2e: {  	s13 =	rddreg [dreg:$0x4];
	[sflag:s17] =	ssyncadd.s32 $0xFFFFC000  }
0x2f: {  	[spmem:s13] =	stream.linear.scatter [tilespmem:s16], [sflag:$0x7], $0x4000, $0x38;
	[tilespmem:$0x1FE80] =	vst v63  }
0x30: {  	_ =	swait.ge [sflag:s17], $0x4000  }
0x31: {  	[sflag:s17] =	ssyncset.done $0x0  }
0x32: {  	s14 =	rddreg [dreg:$0x5];
	[sflag:s17] =	ssyncadd.s32 $0xFFFFC000  }
0x33: {  	[spmem:s14] =	stream.linear.scatter [tilespmem:s16], [sflag:$0x7], $0x4000, $0x38;
	[tilespmem:$0x1FE80] =	vst v63  }
0x34: {  	_ =	swait.ge [sflag:s17], $0x4000  }
0x35: {  	[sflag:s17] =	ssyncset.done $0x0  }
0x36: {  	s15 =	rddreg [dreg:$0x6];
	[sflag:s17] =	ssyncadd.s32 $0xFFFFC000  }
0x37: {  	[spmem:s15] =	stream.linear.scatter [tilespmem:s16], [sflag:$0x7], $0x3800, $0x38;
	[tilespmem:$0x1FE80] =	vst v63  }
0x38: {  	_ =	swait.ge [sflag:s17], $0x3800  }
0x39: {  	[sflag:s17] =	ssyncset.done $0x0  }
0x3a: {  	s8 =	simm.s32 @!p0 $0x600;
	[sflag:s17] =	ssyncadd.s32 $0xFFFFC800  }
0x3b: {  	[spmem:s11] =	stream.linear.scatter @!p0 [tilespmem:s8], [sflag:$0x7], $0x800, $0x38;
	[tilespmem:$0x1FE80] =	vst v63  }
0x3c: {  	s8 =	simm.s32 @!p0 $0x7  }
0x3d: {  	_ =	swait.ge @!p0 [sflag:s8], $0x800  }
0x3e: {  	[sflag:s8] =	ssyncset.done @!p0 $0x0  }
0x3f: {  	[sflag:s8] =	ssyncadd.s32 @!p0 $0xFFFFF800  }
0x40: {  	s9 =	simm.s32 $0x0;
	s8 =	simm.s32 $0x0;
	[bflag:$0x0] =	sbarrier.arrive $0xFFFF  }
.LBB2_4:
0x41: {  	s10 =	smul.u32 $0x600, s9;
	_ =	sdelay $0x1  }
0x42: {  	s10 =	sadd.s32 s10, s12  }
0x43: {  	s10 =	sshrl.u32 s10, $0x3  }
0x44: {  	s10 =	sadd.s32 s5, s10  }
0x45: {  	[tilespmem:s8], [sflag:$0x7] =	stream.linear.gather [hbm4b:s10+s8], $0x600, $0x38;
	[tilespmem:$0x1FE80] =	vst v63  }
0x46: {  	_ =	swait.ge [sflag:s17], $0x600  }
0x47: {  	v1 =	vmov s8;
	s13 =	simm.s32 $0x3;
	[sflag:s17] =	ssyncset.done $0x0  }
0x48: {  	v1 =	vand.u32 $0x7C, v1;
	v2 =	vmov s13;
	[sflag:s17] =	ssyncadd.s32 $0xFFFFFA00  }
0x49: {  	v1 =	vor.u32 $0x400, v1;
	v2 =	vand.u32 $0x7F, v2;
	[tilespmem:s16], [sflag:$0x1] =	stream.indirect.gather [hbm4b:s4+s18], $0x80, s8, s18, $0xb8;
	[tilespmem:$0x1FE80] =	vst v63  }
0x4a: {  	v1 =	vbroadcast v1, $0x0;
	v2 =	vor.u32 $0x400, v2  }
0x4b: {  	v2 =	vbroadcast v2, $0x0;
	[tilespmem:s19], [sflag:$0x2] =	stream.indirect.gather [hbm4b:s4+s18], $0x80, s18, s18, $0xb8;
	[tilespmem:$0x1FE80] =	vst v63  }
0x4c: {  	_ =	swait.ge [sflag:s20], $0x4000  }
0x4d: {  	[sflag:s20] =	ssyncset.done $0x0  }
0x4e: {  	[sflag:s20] =	ssyncadd.s32 $0xFFFFC000  }
0x4f: {  	[tilespmem:s22], [sflag:$0x3] =	stream.indirect.gather [hbm4b:s4+s18], $0x80, s21, s18, $0xb8;
	[tilespmem:$0x1FE80] =	vst v63  }
0x50: {  	s13 =	simm.s32 $0x1;
	v3 =	vld.idx.msk [tilespmem:v1+s3+$0x0], $0xffff  }
0x51: {  	v4 =	vmov s13;
	s10 =	simm.s32 $0x700;
	v1 =	vld.idx.msk [tilespmem:v2+s3+$0x0], $0xffff  }
0x52: {  	v2 =	vand.u32 $0x7D, v4;
	v4 =	vld [tilespmem:s10+$0xF0]  }
0x53: {  	v5 =	vld [tilespmem:s10+$0xFFFFFF00]  }
0x54: {  	v6 =	vld [tilespmem:s10+$0xFFFFFF10];
	v2 =	vor.u32 $0x400, v2  }
0x55: {  	v7 =	vld [tilespmem:s10+$0xFFFFFF20];
	v2 =	vbroadcast v2, $0x0  }
0x56: {  	v8 =	vld [tilespmem:s10+$0xFFFFFF30]  }
0x57: {  	v9 =	vld [tilespmem:s10+$0xFFFFFF40]  }
0x58: {  	v10 =	vld [tilespmem:s10+$0xFFFFFF50];
	v5 =	vmul.f32 v3, v5  }
0x59: {  	v11 =	vld [tilespmem:s10+$0xFFFFFF60]  }
0x5a: {  	s14 =	simm.s32 $0x2;
	v4 =	vmul.f32 v1, v4;
	[tilespmem:s10+$0xFFFFFF00] =	vst v5;
	v5 =	vld [tilespmem:s10+$0xFFFFFF70]  }
0x5b: {  	v12 =	vmov s14;
	v6 =	vmul.f32 v3, v6;
	v13 =	vld.idx.msk [tilespmem:v2+s3+$0x0], $0xffff  }
0x5c: {  	[tilespmem:s10+$0xF0] =	vst v4;
	v4 =	vmul.f32 v3, v7;
	v2 =	vand.u32 $0x7E, v12;
	v12 =	vld [tilespmem:s10+$0xFFFFFF80]  }
0x5d: {  	v7 =	vld [tilespmem:s10+$0xFFFFFF90];
	[tilespmem:s10+$0xFFFFFF10] =	vst v6;
	v6 =	vmul.f32 v3, v8;
	v2 =	vor.u32 $0x400, v2  }
0x5e: {  	v8 =	vld [tilespmem:s10+$0xFFFFFFA0];
	[tilespmem:s10+$0xFFFFFF20] =	vst v4;
	v4 =	vmul.f32 v3, v9;
	v2 =	vbroadcast v2, $0x0  }
0x5f: {  	v9 =	vld [tilespmem:s10+$0xFFFFFFB0];
	[tilespmem:s10+$0xFFFFFF30] =	vst v6;
	v6 =	vmul.f32 v3, v10  }
0x60: {  	v11 =	vmul.f32 v3, v11;
	v10 =	vld [tilespmem:s10+$0xFFFFFFC0];
	[tilespmem:s10+$0xFFFFFF40] =	vst v4;
	v3 =	vmul.f32 v3, v5  }
0x61: {  	[tilespmem:s10+$0xFFFFFF50] =	vst v6;
	v6 =	vld [tilespmem:s10+$0xFFFFFFE0];
	v4 =	vmul.f32 v13, v12  }
0x62: {  	v12 =	vld [tilespmem:s10+$0xFFFFFFD0];
	[tilespmem:s10+$0xFFFFFF70] =	vst v3  }
0x63: {  	v3 =	vmul.f32 v13, v8;
	[tilespmem:s10+$0xFFFFFF80] =	vst v4;
	v4 =	vmul.f32 v13, v7;
	v7 =	vld [tilespmem:s10+$0x0]  }
0x64: {  	[tilespmem:s10+$0xFFFFFF60] =	vst v11;
	v2 =	vld.idx.msk [tilespmem:v2+s3+$0x0], $0xffff  }
0x65: {  	v5 =	vld [tilespmem:s10+$0xFFFFFFF0];
	[tilespmem:s10+$0xFFFFFFA0] =	vst v3;
	v3 =	vmul.f32 v13, v10  }
0x66: {  	v8 =	vld [tilespmem:s10+$0x10];
	[tilespmem:s10+$0xFFFFFF90] =	vst v4;
	v4 =	vmul.f32 v13, v9  }
0x67: {  	s15 =	simm.s32 $0x4;
	v6 =	vmul.f32 v13, v6;
	v9 =	vld [tilespmem:s10+$0x20];
	[tilespmem:s10+$0xFFFFFFC0] =	vst v3  }
0x68: {  	v11 =	vmov s15;
	v10 =	vld [tilespmem:s10+$0x30];
	[tilespmem:s10+$0xFFFFFFB0] =	vst v4;
	v4 =	vmul.f32 v13, v12  }
0x69: {  	v11 =	vand.u32 $0x7C, v11;
	v3 =	vld [tilespmem:s10+$0x40];
	[tilespmem:s10+$0xFFFFFFE0] =	vst v6;
	v7 =	vmul.f32 v2, v7  }
0x6a: {  	s14 =	simm.s32 $0x5;
	s15 =	simm.s32 $0x6;
	v6 =	vor.u32 $0x400, v11;
	v12 =	vmul.f32 v13, v5;
	[tilespmem:s10+$0xFFFFFFD0] =	vst v4;
	v4 =	vld [tilespmem:s10+$0x50]  }
0x6b: {  	v13 =	vmov s14;
	v5 =	vld [tilespmem:s10+$0x60];
	v8 =	vmul.f32 v2, v8;
	[tilespmem:s10+$0x0] =	vst v7;
	v7 =	vmov s15  }
0x6c: {  	[tilespmem:s10+$0xFFFFFFF0] =	vst v12;
	v12 =	vand.u32 $0x7D, v13;
	v9 =	vmul.f32 v2, v9;
	v11 =	vand.u32 $0x7E, v7;
	v7 =	vld [tilespmem:s10+$0x70]  }
0x6d: {  	s13 =	simm.s32 $0x700;
	v6 =	vbroadcast v6, $0x0;
	s14 =	simm.s32 $0x8;
	v10 =	vmul.f32 v2, v10;
	v12 =	vor.u32 $0x400, v12;
	s15 =	simm.s32 $0x7;
	[tilespmem:s10+$0x10] =	vst v8;
	v8 =	vld [tilespmem:s10+$0x80]  }
.LBB2_5:
0x6e: {  	p1 =	slt.u32 s14, $0x7C;
	v11 =	vor.u32 $0x400, v11;
	v13 =	vmov s15;
	[tilespmem:s10+$0x20] =	vst v9;
	v3 =	vmul.f32 v2, v3;
	v9 =	vld [tilespmem:s10+$0x90]  }
0x6f: {  	v12 =	vbroadcast v12, $0x0;
	v13 =	vand.u32 $0x7F, v13;
	[tilespmem:s10+$0x30] =	vst v10;
	v4 =	vmul.f32 v2, v4;
	v10 =	vld [tilespmem:s10+$0xA0]  }
0x70: {  	v11 =	vbroadcast v11, $0x0;
	v13 =	vor.u32 $0x400, v13;
	[tilespmem:s10+$0x40] =	vst v3;
	v3 =	vmul.f32 v2, v5;
	v5 =	vld [tilespmem:s10+$0xB0]  }
0x71: {  	v13 =	vbroadcast v13, $0x0;
	[tilespmem:s10+$0x50] =	vst v4;
	v2 =	vmul.f32 v2, v7;
	v4 =	vld [tilespmem:s10+$0xC0]  }
0x72: {  	[tilespmem:s10+$0x60] =	vst v3;
	v3 =	vmul.f32 v1, v8;
	v7 =	vld [tilespmem:s10+$0xD0]  }
0x73: {  	[tilespmem:s10+$0x70] =	vst v2;
	v2 =	vmul.f32 v1, v9;
	v8 =	vld [tilespmem:s10+$0xE0]  }
0x74: {  	v6 =	vld.idx.msk [tilespmem:v6+s3+$0x0], $0xffff;
	[tilespmem:s10+$0x80] =	vst v3;
	v3 =	vmul.f32 v1, v10  }
0x75: {  	v9 =	vld.idx.msk [tilespmem:v12+s3+$0x0], $0xffff;
	[tilespmem:s10+$0x90] =	vst v2;
	v5 =	vmul.f32 v1, v5  }
0x76: {  	v2 =	vld.idx.msk [tilespmem:v11+s3+$0x0], $0xffff;
	[tilespmem:s10+$0xA0] =	vst v3;
	v3 =	vmul.f32 v1, v4  }
0x77: {  	s10 =	sadd.s32 $0x200, s10;
	v4 =	vld.idx.msk [tilespmem:v13+s3+$0x0], $0xffff;
	[tilespmem:s13+$0xB0] =	vst v5;
	v5 =	vmul.f32 v1, v7  }
0x78: {  	v7 =	vld [tilespmem:s10+$0xF0];
	[tilespmem:s13+$0xC0] =	vst v3;
	v1 =	vmul.f32 v1, v8  }
0x79: {  	v3 =	vld [tilespmem:s10+$0xFFFFFF00];
	[tilespmem:s13+$0xD0] =	vst v5  }
0x7a: {  	v5 =	vld [tilespmem:s10+$0xFFFFFF10];
	[tilespmem:s13+$0xE0] =	vst v1;
	s13 =	smov.u32 s10  }
0x7b: {  	v8 =	vld [tilespmem:s10+$0xFFFFFF20]  }
0x7c: {  	v10 =	vld [tilespmem:s10+$0xFFFFFF30]  }
0x7d: {  	v1 =	vmov v4;
	v11 =	vld [tilespmem:s10+$0xFFFFFF40];
	v7 =	vmul.f32 v4, v7  }
0x7e: {  	v3 =	vmul.f32 v6, v3;
	v4 =	vld [tilespmem:s10+$0xFFFFFF50]  }
0x7f: {  	v5 =	vmul.f32 v6, v5;
	v12 =	vld [tilespmem:s10+$0xFFFFFF60];
	[tilespmem:s10+$0xF0] =	vst v7  }
0x80: {  	[tilespmem:s10+$0xFFFFFF00] =	vst v3;
	v3 =	vmul.f32 v6, v8;
	v7 =	vld [tilespmem:s10+$0xFFFFFF70]  }
0x81: {  	[tilespmem:s10+$0xFFFFFF10] =	vst v5;
	v5 =	vmul.f32 v6, v10;
	v8 =	vld [tilespmem:s10+$0xFFFFFF80]  }
0x82: {  	[tilespmem:s10+$0xFFFFFF20] =	vst v3;
	v3 =	vmul.f32 v6, v11;
	v10 =	vld [tilespmem:s10+$0xFFFFFF90]  }
0x83: {  	[tilespmem:s10+$0xFFFFFF30] =	vst v5;
	v4 =	vmul.f32 v6, v4;
	v5 =	vld [tilespmem:s10+$0xFFFFFFA0]  }
0x84: {  	[tilespmem:s10+$0xFFFFFF40] =	vst v3;
	v3 =	vmul.f32 v6, v12;
	v11 =	vld [tilespmem:s10+$0xFFFFFFB0]  }
0x85: {  	[tilespmem:s10+$0xFFFFFF50] =	vst v4;
	v4 =	vmul.f32 v6, v7;
	v6 =	vld [tilespmem:s10+$0xFFFFFFC0]  }
0x86: {  	[tilespmem:s10+$0xFFFFFF60] =	vst v3;
	v3 =	vmul.f32 v9, v8;
	v7 =	vld [tilespmem:s10+$0xFFFFFFD0]  }
0x87: {  	[tilespmem:s10+$0xFFFFFF70] =	vst v4;
	v4 =	vmul.f32 v9, v10;
	v8 =	vld [tilespmem:s10+$0xFFFFFFE0]  }
0x88: {  	[tilespmem:s10+$0xFFFFFF80] =	vst v3;
	v3 =	vmul.f32 v9, v5;
	v5 =	vld [tilespmem:s10+$0xFFFFFFF0]  }
0x89: {  	[tilespmem:s10+$0xFFFFFF90] =	vst v4;
	v4 =	vmul.f32 v9, v11;
	v10 =	vld [tilespmem:s10+$0x0]  }
0x8a: {  	[tilespmem:s10+$0xFFFFFFA0] =	vst v3;
	v3 =	vmul.f32 v9, v6;
	v6 =	vld [tilespmem:s10+$0x10]  }
0x8b: {  	[tilespmem:s10+$0xFFFFFFB0] =	vst v4;
	v4 =	vmul.f32 v9, v7;
	v7 =	vld [tilespmem:s10+$0x20]  }
0x8c: {  	[tilespmem:s10+$0xFFFFFFC0] =	vst v3;
	v8 =	vmul.f32 v9, v8;
	v13 =	vld [tilespmem:s10+$0x30]  }
.Ltmp1:
0x8d: {  	s15 =	sadd.s32 $0x1, s14;
	v11 =	vmov s14;
	[tilespmem:s10+$0xFFFFFFD0] =	vst v4;
	v5 =	vmul.f32 v9, v5;
	v3 =	vld [tilespmem:s10+$0x40];
	(pc) =	sbr.rel @p1 .LBB2_5-.Ltmp1, $4  }
0x8e: {  	v9 =	vand.u32 $0x7C, v11;
	v11 =	vmov s15;
	s15 =	sadd.s32 $0x2, s14;
	[tilespmem:s10+$0xFFFFFFE0] =	vst v8;
	v8 =	vmul.f32 v2, v10;
	v4 =	vld [tilespmem:s10+$0x50]  }
0x8f: {  	v10 =	vor.u32 $0x400, v9;
	v9 =	vmov s15;
	[tilespmem:s10+$0xFFFFFFF0] =	vst v5;
	v14 =	vmul.f32 v2, v6;
	v5 =	vld [tilespmem:s10+$0x60]  }
0x90: {  	v12 =	vand.u32 $0x7D, v11;
	v11 =	vand.u32 $0x7E, v9;
	[tilespmem:s10+$0x0] =	vst v8;
	v9 =	vmul.f32 v2, v7;
	v7 =	vld [tilespmem:s10+$0x70]  }
0x91: {  	s15 =	sadd.s32 $0x3, s14;
	s14 =	sadd.s32 $0x4, s14;
	v6 =	vbroadcast v10, $0x0;
	v12 =	vor.u32 $0x400, v12;
	[tilespmem:s10+$0x10] =	vst v14;
	v10 =	vmul.f32 v2, v13;
	v8 =	vld [tilespmem:s10+$0x80]  }
0x92: {  	v14 =	vld [tilespmem:s10+$0x90]  }
0x93: {  	v15 =	vld [tilespmem:s10+$0xA0]  }
0x94: {  	v13 =	vmov s15;
	v11 =	vor.u32 $0x400, v11;
	v12 =	vbroadcast v12, $0x0;
	v16 =	vld [tilespmem:s10+$0xB0]  }
0x95: {  	v17 =	vld [tilespmem:s10+$0xC0];
	[tilespmem:s10+$0x20] =	vst v9;
	v3 =	vmul.f32 v2, v3;
	v13 =	vand.u32 $0x7F, v13;
	v11 =	vbroadcast v11, $0x0  }
0x96: {  	v9 =	vld [tilespmem:s10+$0xD0];
	[tilespmem:s10+$0x30] =	vst v10;
	v4 =	vmul.f32 v2, v4;
	v13 =	vor.u32 $0x400, v13  }
0x97: {  	v10 =	vld [tilespmem:s10+$0xE0];
	[tilespmem:s10+$0x40] =	vst v3;
	v3 =	vmul.f32 v2, v5;
	v13 =	vbroadcast v13, $0x0  }
0x98: {  	s14 =	sadd.s32 $0x200, s10;
	v5 =	vld.idx.msk [tilespmem:v6+s3+$0x0], $0xffff;
	[tilespmem:s10+$0x50] =	vst v4;
	v2 =	vmul.f32 v2, v7  }
0x99: {  	[tilespmem:s10+$0x60] =	vst v3;
	v3 =	vmul.f32 v1, v8;
	v8 =	vld [tilespmem:s14+$0xF0]  }
0x9a: {  	[tilespmem:s10+$0x70] =	vst v2;
	v2 =	vmul.f32 v1, v14;
	v4 =	vld.idx.msk [tilespmem:v12+s3+$0x0], $0xffff  }
0x9b: {  	[tilespmem:s10+$0x80] =	vst v3;
	v3 =	vmul.f32 v1, v15;
	v6 =	vld.idx.msk [tilespmem:v11+s3+$0x0], $0xffff  }
0x9c: {  	[tilespmem:s10+$0x90] =	vst v2;
	v2 =	vmul.f32 v1, v16;
	v11 =	vld [tilespmem:s14+$0xFFFFFF00]  }
0x9d: {  	[tilespmem:s10+$0xA0] =	vst v3;
	v3 =	vmul.f32 v1, v17;
	v7 =	vld.idx.msk [tilespmem:v13+s3+$0x0], $0xffff  }
0x9e: {  	v12 =	vld [tilespmem:s14+$0xFFFFFF10];
	[tilespmem:s13+$0xB0] =	vst v2;
	v2 =	vmul.f32 v1, v9  }
0x9f: {  	v9 =	vld [tilespmem:s14+$0xFFFFFF20];
	v1 =	vmul.f32 v1, v10;
	[tilespmem:s13+$0xC0] =	vst v3  }
0xa0: {  	v3 =	vld [tilespmem:s14+$0xFFFFFF30];
	[tilespmem:s13+$0xD0] =	vst v2  }
0xa1: {  	v2 =	vld [tilespmem:s14+$0xFFFFFF40];
	[tilespmem:s13+$0xE0] =	vst v1;
	v1 =	vmul.f32 v5, v11  }
0xa2: {  	v10 =	vld [tilespmem:s14+$0xFFFFFF50];
	v8 =	vmul.f32 v7, v8  }
0xa3: {  	v11 =	vmul.f32 v5, v12;
	v12 =	vld [tilespmem:s14+$0xFFFFFF60];
	[tilespmem:s14+$0xFFFFFF00] =	vst v1  }
0xa4: {  	v1 =	vmul.f32 v5, v9;
	[tilespmem:s14+$0xF0] =	vst v8;
	v8 =	vld [tilespmem:s14+$0xFFFFFF70]  }
0xa5: {  	[tilespmem:s14+$0xFFFFFF10] =	vst v11;
	v9 =	vld [tilespmem:s14+$0xFFFFFF80];
	v3 =	vmul.f32 v5, v3  }
0xa6: {  	[tilespmem:s14+$0xFFFFFF20] =	vst v1;
	v1 =	vmul.f32 v5, v2;
	v2 =	vld [tilespmem:s14+$0xFFFFFF90]  }
0xa7: {  	[tilespmem:s14+$0xFFFFFF30] =	vst v3;
	v3 =	vmul.f32 v5, v10;
	v10 =	vld [tilespmem:s14+$0xFFFFFFA0]  }
0xa8: {  	v11 =	vld [tilespmem:s14+$0xFFFFFFB0];
	[tilespmem:s14+$0xFFFFFF40] =	vst v1;
	v1 =	vmul.f32 v5, v12  }
0xa9: {  	[tilespmem:s14+$0xFFFFFF50] =	vst v3;
	v3 =	vmul.f32 v5, v8;
	v5 =	vld [tilespmem:s14+$0xFFFFFFC0]  }
0xaa: {  	[tilespmem:s14+$0xFFFFFF60] =	vst v1;
	v1 =	vmul.f32 v4, v9;
	v8 =	vld [tilespmem:s14+$0xFFFFFFD0]  }
0xab: {  	v2 =	vmul.f32 v4, v2;
	[tilespmem:s14+$0xFFFFFF70] =	vst v3;
	v3 =	vld [tilespmem:s14+$0xFFFFFFE0]  }
0xac: {  	v9 =	vld [tilespmem:s14+$0xFFFFFFF0];
	[tilespmem:s14+$0xFFFFFF80] =	vst v1;
	v1 =	vmul.f32 v4, v10  }
0xad: {  	v10 =	vld [tilespmem:s14+$0x0];
	[tilespmem:s14+$0xFFFFFF90] =	vst v2;
	v2 =	vmul.f32 v4, v11  }
0xae: {  	[tilespmem:s14+$0xFFFFFFA0] =	vst v1;
	v1 =	vmul.f32 v4, v5;
	v5 =	vld [tilespmem:s14+$0x10]  }
0xaf: {  	[tilespmem:s14+$0xFFFFFFB0] =	vst v2;
	v2 =	vmul.f32 v4, v8;
	v8 =	vld [tilespmem:s14+$0x20]  }
0xb0: {  	[tilespmem:s14+$0xFFFFFFC0] =	vst v1;
	v1 =	vmul.f32 v4, v3;
	v3 =	vld [tilespmem:s14+$0x30]  }
0xb1: {  	[tilespmem:s14+$0xFFFFFFD0] =	vst v2;
	v2 =	vmul.f32 v4, v9;
	v4 =	vld [tilespmem:s14+$0x40]  }
0xb2: {  	v9 =	vld [tilespmem:s14+$0x50];
	[tilespmem:s14+$0xFFFFFFE0] =	vst v1;
	v1 =	vmul.f32 v6, v10  }
0xb3: {  	[tilespmem:s14+$0xFFFFFFF0] =	vst v2;
	v2 =	vmul.f32 v6, v5;
	v5 =	vld [tilespmem:s14+$0x60]  }
0xb4: {  	[tilespmem:s14+$0x0] =	vst v1;
	v1 =	vmul.f32 v6, v8;
	v8 =	vld [tilespmem:s14+$0x70]  }
0xb5: {  	[tilespmem:s14+$0x10] =	vst v2;
	v2 =	vmul.f32 v6, v3;
	v3 =	vld [tilespmem:s14+$0x80]  }
0xb6: {  	[tilespmem:s14+$0x20] =	vst v1;
	v1 =	vmul.f32 v6, v4;
	v4 =	vld [tilespmem:s14+$0x90]  }
0xb7: {  	[tilespmem:s14+$0x30] =	vst v2;
	v2 =	vmul.f32 v6, v9;
	v9 =	vld [tilespmem:s14+$0xA0]  }
0xb8: {  	[tilespmem:s14+$0x40] =	vst v1;
	v1 =	vmul.f32 v6, v5;
	v5 =	vld [tilespmem:s14+$0xB0]  }
0xb9: {  	[tilespmem:s14+$0x50] =	vst v2;
	v2 =	vmul.f32 v6, v8;
	v6 =	vld [tilespmem:s14+$0xC0]  }
0xba: {  	[tilespmem:s14+$0x60] =	vst v1;
	v1 =	vmul.f32 v7, v3;
	v3 =	vld [tilespmem:s14+$0xD0]  }
0xbb: {  	[tilespmem:s14+$0x70] =	vst v2;
	v2 =	vmul.f32 v7, v4;
	v4 =	vld [tilespmem:s14+$0xE0]  }
0xbc: {  	[tilespmem:s14+$0x80] =	vst v1;
	v1 =	vmul.f32 v7, v9  }
0xbd: {  	[tilespmem:s14+$0x90] =	vst v2;
	v2 =	vmul.f32 v7, v5  }
0xbe: {  	[tilespmem:s14+$0xA0] =	vst v1;
	v1 =	vmul.f32 v7, v6  }
0xbf: {  	[tilespmem:s14+$0xB0] =	vst v2;
	v2 =	vmul.f32 v7, v3  }
0xc0: {  	[tilespmem:s14+$0xC0] =	vst v1;
	v1 =	vmul.f32 v7, v4  }
0xc1: {  	s13 =	simm.s32 $0x0;
	[tilespmem:s14+$0xD0] =	vst v2  }
0xc2: {  	[tilespmem:s14+$0xE0] =	vst v1;
	v1 =	vmov s13  }
0xc3: {  	[spmem:s2] =	stream.indirect.scatter.add.f32 [tilespmem:s16], [sflag:$0x4], $0x80, s23, s18, $0xb8;
	v1 =	vand.u32 $0x7C, v1;
	[tilespmem:$0x1FE80] =	vst v63  }
0xc4: {  	_ =	swait.ge [sflag:s24], $0x4000;
	v1 =	vor.u32 $0x480, v1  }
0xc5: {  	s14 =	simm.s32 $0x3;
	[sflag:s24] =	ssyncset.done $0x0;
	v1 =	vbroadcast v1, $0x0  }
0xc6: {  	v2 =	vmov s14;
	[sflag:s24] =	ssyncadd.s32 $0xFFFFC000  }
0xc7: {  	v2 =	vand.u32 $0x7F, v2;
	_ =	swait.ge [sflag:s25], $0x4000  }
0xc8: {  	v2 =	vor.u32 $0x480, v2;
	[sflag:s25] =	ssyncset.done $0x0  }
0xc9: {  	v2 =	vbroadcast v2, $0x0;
	[sflag:s25] =	ssyncadd.s32 $0xFFFFC000  }
0xca: {  	[tilespmem:s16], [sflag:$0x1] =	stream.indirect.gather [hbm4b:s4+s18], $0x80, s26, s18, $0xb8;
	[tilespmem:$0x1FE80] =	vst v63  }
0xcb: {  	s10 =	simm.s32 $0x4700;
	v3 =	vld.idx.msk [tilespmem:v1+s3+$0x0], $0xffff  }
0xcc: {  	v5 =	vld [tilespmem:s10+$0xFFFFFF00]  }
0xcd: {  	s15 =	simm.s32 $0x1;
	v6 =	vld [tilespmem:s10+$0xFFFFFF10]  }
0xce: {  	v4 =	vmov s15;
	v7 =	vld [tilespmem:s10+$0xFFFFFF20]  }
0xcf: {  	v1 =	vld.idx.msk [tilespmem:v2+s3+$0x0], $0xffff;
	v2 =	vand.u32 $0x7D, v4  }
0xd0: {  	v8 =	vld [tilespmem:s10+$0xFFFFFF30];
	v2 =	vor.u32 $0x480, v2  }
0xd1: {  	v11 =	vld [tilespmem:s10+$0xFFFFFF60];
	v2 =	vbroadcast v2, $0x0  }
0xd2: {  	v4 =	vld [tilespmem:s10+$0xF0]  }
0xd3: {  	v9 =	vld [tilespmem:s10+$0xFFFFFF40];
	v5 =	vmul.f32 v3, v5  }
0xd4: {  	v10 =	vld [tilespmem:s10+$0xFFFFFF50];
	v6 =	vmul.f32 v3, v6  }
0xd5: {  	[tilespmem:s10+$0xFFFFFF00] =	vst v5;
	v5 =	vld [tilespmem:s10+$0xFFFFFF70]  }
0xd6: {  	s14 =	simm.s32 $0x2;
	v11 =	vmul.f32 v3, v11;
	[tilespmem:s10+$0xFFFFFF10] =	vst v6;
	v6 =	vmul.f32 v3, v8;
	v8 =	vld [tilespmem:s10+$0xFFFFFFA0]  }
0xd7: {  	v12 =	vmov s14;
	v4 =	vmul.f32 v1, v4;
	v13 =	vld.idx.msk [tilespmem:v2+s3+$0x0], $0xffff  }
0xd8: {  	[tilespmem:s10+$0xFFFFFF60] =	vst v11;
	v2 =	vand.u32 $0x7E, v12;
	v12 =	vld [tilespmem:s10+$0xFFFFFF80]  }
0xd9: {  	[tilespmem:s10+$0xF0] =	vst v4;
	v4 =	vmul.f32 v3, v7;
	v7 =	vld [tilespmem:s10+$0xFFFFFF90];
	v2 =	vor.u32 $0x480, v2  }
0xda: {  	[tilespmem:s10+$0xFFFFFF30] =	vst v6;
	v6 =	vmul.f32 v3, v10;
	v10 =	vld [tilespmem:s10+$0xFFFFFFC0];
	v2 =	vbroadcast v2, $0x0  }
0xdb: {  	[tilespmem:s10+$0xFFFFFF20] =	vst v4;
	v4 =	vmul.f32 v3, v9;
	v9 =	vld [tilespmem:s10+$0xFFFFFFB0]  }
0xdc: {  	[tilespmem:s10+$0xFFFFFF50] =	vst v6;
	v6 =	vld [tilespmem:s10+$0xFFFFFFE0];
	v3 =	vmul.f32 v3, v5  }
0xdd: {  	[tilespmem:s10+$0xFFFFFF40] =	vst v4;
	v5 =	vld [tilespmem:s10+$0xFFFFFFF0];
	v4 =	vmul.f32 v13, v12  }
0xde: {  	v12 =	vld [tilespmem:s10+$0xFFFFFFD0];
	[tilespmem:s10+$0xFFFFFF70] =	vst v3;
	v3 =	vmul.f32 v13, v8  }
0xdf: {  	[tilespmem:s10+$0xFFFFFF80] =	vst v4;
	v4 =	vmul.f32 v13, v7;
	v7 =	vld [tilespmem:s10+$0x0]  }
0xe0: {  	[tilespmem:s10+$0xFFFFFFA0] =	vst v3;
	v3 =	vmul.f32 v13, v10;
	v2 =	vld.idx.msk [tilespmem:v2+s3+$0x0], $0xffff  }
0xe1: {  	v8 =	vld [tilespmem:s10+$0x10];
	[tilespmem:s10+$0xFFFFFF90] =	vst v4;
	v4 =	vmul.f32 v13, v9  }
0xe2: {  	s15 =	simm.s32 $0x4;
	v6 =	vmul.f32 v13, v6;
	v9 =	vld [tilespmem:s10+$0x20];
	[tilespmem:s10+$0xFFFFFFC0] =	vst v3  }
0xe3: {  	v11 =	vmov s15;
	v10 =	vld [tilespmem:s10+$0x30];
	[tilespmem:s10+$0xFFFFFFB0] =	vst v4;
	v4 =	vmul.f32 v13, v12  }
0xe4: {  	v11 =	vand.u32 $0x7C, v11;
	v3 =	vld [tilespmem:s10+$0x40];
	[tilespmem:s10+$0xFFFFFFE0] =	vst v6;
	v12 =	vmul.f32 v13, v5  }
0xe5: {  	s14 =	simm.s32 $0x5;
	s15 =	simm.s32 $0x6;
	v6 =	vor.u32 $0x480, v11;
	[tilespmem:s10+$0xFFFFFFD0] =	vst v4;
	v7 =	vmul.f32 v2, v7;
	v4 =	vld [tilespmem:s10+$0x50]  }
0xe6: {  	v11 =	vmov s15;
	v13 =	vmov s14;
	v5 =	vld [tilespmem:s10+$0x60];
	v8 =	vmul.f32 v2, v8;
	[tilespmem:s10+$0xFFFFFFF0] =	vst v12  }
0xe7: {  	v11 =	vand.u32 $0x7E, v11;
	v12 =	vand.u32 $0x7D, v13;
	v9 =	vmul.f32 v2, v9;
	[tilespmem:s10+$0x0] =	vst v7;
	v7 =	vld [tilespmem:s10+$0x70]  }
0xe8: {  	s13 =	simm.s32 $0x4700;
	s15 =	simm.s32 $0x7;
	v6 =	vbroadcast v6, $0x0;
	s14 =	simm.s32 $0x8;
	v10 =	vmul.f32 v2, v10;
	v12 =	vor.u32 $0x480, v12;
	[tilespmem:s10+$0x10] =	vst v8;
	v8 =	vld [tilespmem:s10+$0x80]  }
.LBB2_7:
0xe9: {  	p1 =	slt.u32 s14, $0x7C;
	v11 =	vor.u32 $0x480, v11;
	v13 =	vmov s15;
	[tilespmem:s10+$0x20] =	vst v9;
	v3 =	vmul.f32 v2, v3;
	v9 =	vld [tilespmem:s10+$0x90]  }
0xea: {  	v12 =	vbroadcast v12, $0x0;
	v13 =	vand.u32 $0x7F, v13;
	[tilespmem:s10+$0x30] =	vst v10;
	v4 =	vmul.f32 v2, v4;
	v10 =	vld [tilespmem:s10+$0xA0]  }
0xeb: {  	v11 =	vbroadcast v11, $0x0;
	v13 =	vor.u32 $0x480, v13;
	[tilespmem:s10+$0x40] =	vst v3;
	v3 =	vmul.f32 v2, v5;
	v5 =	vld [tilespmem:s10+$0xB0]  }
0xec: {  	v13 =	vbroadcast v13, $0x0;
	[tilespmem:s10+$0x50] =	vst v4;
	v2 =	vmul.f32 v2, v7;
	v4 =	vld [tilespmem:s10+$0xC0]  }
0xed: {  	[tilespmem:s10+$0x60] =	vst v3;
	v3 =	vmul.f32 v1, v8;
	v7 =	vld [tilespmem:s10+$0xD0]  }
0xee: {  	[tilespmem:s10+$0x70] =	vst v2;
	v2 =	vmul.f32 v1, v9;
	v8 =	vld [tilespmem:s10+$0xE0]  }
0xef: {  	v6 =	vld.idx.msk [tilespmem:v6+s3+$0x0], $0xffff;
	[tilespmem:s10+$0x80] =	vst v3;
	v3 =	vmul.f32 v1, v10  }
0xf0: {  	v9 =	vld.idx.msk [tilespmem:v12+s3+$0x0], $0xffff;
	[tilespmem:s10+$0x90] =	vst v2;
	v5 =	vmul.f32 v1, v5  }
0xf1: {  	v2 =	vld.idx.msk [tilespmem:v11+s3+$0x0], $0xffff;
	[tilespmem:s10+$0xA0] =	vst v3;
	v3 =	vmul.f32 v1, v4  }
0xf2: {  	s10 =	sadd.s32 $0x200, s10;
	v4 =	vld.idx.msk [tilespmem:v13+s3+$0x0], $0xffff;
	[tilespmem:s13+$0xB0] =	vst v5;
	v5 =	vmul.f32 v1, v7  }
0xf3: {  	v7 =	vld [tilespmem:s10+$0xF0];
	[tilespmem:s13+$0xC0] =	vst v3;
	v1 =	vmul.f32 v1, v8  }
0xf4: {  	v3 =	vld [tilespmem:s10+$0xFFFFFF00];
	[tilespmem:s13+$0xD0] =	vst v5  }
0xf5: {  	v5 =	vld [tilespmem:s10+$0xFFFFFF10];
	[tilespmem:s13+$0xE0] =	vst v1;
	s13 =	smov.u32 s10  }
0xf6: {  	v8 =	vld [tilespmem:s10+$0xFFFFFF20]  }
0xf7: {  	v10 =	vld [tilespmem:s10+$0xFFFFFF30]  }
0xf8: {  	v1 =	vmov v4;
	v11 =	vld [tilespmem:s10+$0xFFFFFF40];
	v7 =	vmul.f32 v4, v7  }
0xf9: {  	v3 =	vmul.f32 v6, v3;
	v4 =	vld [tilespmem:s10+$0xFFFFFF50]  }
0xfa: {  	v5 =	vmul.f32 v6, v5;
	v12 =	vld [tilespmem:s10+$0xFFFFFF60];
	[tilespmem:s10+$0xF0] =	vst v7  }
0xfb: {  	[tilespmem:s10+$0xFFFFFF00] =	vst v3;
	v3 =	vmul.f32 v6, v8;
	v7 =	vld [tilespmem:s10+$0xFFFFFF70]  }
0xfc: {  	[tilespmem:s10+$0xFFFFFF10] =	vst v5;
	v5 =	vmul.f32 v6, v10;
	v8 =	vld [tilespmem:s10+$0xFFFFFF80]  }
0xfd: {  	[tilespmem:s10+$0xFFFFFF20] =	vst v3;
	v3 =	vmul.f32 v6, v11;
	v10 =	vld [tilespmem:s10+$0xFFFFFF90]  }
0xfe: {  	[tilespmem:s10+$0xFFFFFF30] =	vst v5;
	v4 =	vmul.f32 v6, v4;
	v5 =	vld [tilespmem:s10+$0xFFFFFFA0]  }
0xff: {  	[tilespmem:s10+$0xFFFFFF40] =	vst v3;
	v3 =	vmul.f32 v6, v12;
	v11 =	vld [tilespmem:s10+$0xFFFFFFB0]  }
0x100: {  	[tilespmem:s10+$0xFFFFFF50] =	vst v4;
	v4 =	vmul.f32 v6, v7;
	v6 =	vld [tilespmem:s10+$0xFFFFFFC0]  }
0x101: {  	[tilespmem:s10+$0xFFFFFF60] =	vst v3;
	v3 =	vmul.f32 v9, v8;
	v7 =	vld [tilespmem:s10+$0xFFFFFFD0]  }
0x102: {  	[tilespmem:s10+$0xFFFFFF70] =	vst v4;
	v4 =	vmul.f32 v9, v10;
	v8 =	vld [tilespmem:s10+$0xFFFFFFE0]  }
0x103: {  	[tilespmem:s10+$0xFFFFFF80] =	vst v3;
	v3 =	vmul.f32 v9, v5;
	v5 =	vld [tilespmem:s10+$0xFFFFFFF0]  }
0x104: {  	[tilespmem:s10+$0xFFFFFF90] =	vst v4;
	v4 =	vmul.f32 v9, v11;
	v10 =	vld [tilespmem:s10+$0x0]  }
0x105: {  	[tilespmem:s10+$0xFFFFFFA0] =	vst v3;
	v3 =	vmul.f32 v9, v6;
	v6 =	vld [tilespmem:s10+$0x10]  }
0x106: {  	[tilespmem:s10+$0xFFFFFFB0] =	vst v4;
	v4 =	vmul.f32 v9, v7;
	v7 =	vld [tilespmem:s10+$0x20]  }
0x107: {  	[tilespmem:s10+$0xFFFFFFC0] =	vst v3;
	v8 =	vmul.f32 v9, v8;
	v13 =	vld [tilespmem:s10+$0x30]  }
.Ltmp2:
0x108: {  	s15 =	sadd.s32 $0x1, s14;
	v11 =	vmov s14;
	[tilespmem:s10+$0xFFFFFFD0] =	vst v4;
	v5 =	vmul.f32 v9, v5;
	v3 =	vld [tilespmem:s10+$0x40];
	(pc) =	sbr.rel @p1 .LBB2_7-.Ltmp2, $4  }
0x109: {  	v9 =	vand.u32 $0x7C, v11;
	v11 =	vmov s15;
	s15 =	sadd.s32 $0x2, s14;
	[tilespmem:s10+$0xFFFFFFE0] =	vst v8;
	v8 =	vmul.f32 v2, v10;
	v4 =	vld [tilespmem:s10+$0x50]  }
0x10a: {  	v10 =	vor.u32 $0x480, v9;
	v9 =	vmov s15;
	[tilespmem:s10+$0xFFFFFFF0] =	vst v5;
	v14 =	vmul.f32 v2, v6;
	v5 =	vld [tilespmem:s10+$0x60]  }
0x10b: {  	v12 =	vand.u32 $0x7D, v11;
	v11 =	vand.u32 $0x7E, v9;
	[tilespmem:s10+$0x0] =	vst v8;
	v9 =	vmul.f32 v2, v7;
	v7 =	vld [tilespmem:s10+$0x70]  }
0x10c: {  	s15 =	sadd.s32 $0x3, s14;
	s14 =	sadd.s32 $0x4, s14;
	v6 =	vbroadcast v10, $0x0;
	v12 =	vor.u32 $0x480, v12;
	[tilespmem:s10+$0x10] =	vst v14;
	v10 =	vmul.f32 v2, v13;
	v8 =	vld [tilespmem:s10+$0x80]  }
0x10d: {  	v14 =	vld [tilespmem:s10+$0x90]  }
0x10e: {  	v15 =	vld [tilespmem:s10+$0xA0]  }
0x10f: {  	v13 =	vmov s15;
	v11 =	vor.u32 $0x480, v11;
	v12 =	vbroadcast v12, $0x0;
	v16 =	vld [tilespmem:s10+$0xB0]  }
0x110: {  	v17 =	vld [tilespmem:s10+$0xC0];
	[tilespmem:s10+$0x20] =	vst v9;
	v3 =	vmul.f32 v2, v3;
	v13 =	vand.u32 $0x7F, v13;
	v11 =	vbroadcast v11, $0x0  }
0x111: {  	v9 =	vld [tilespmem:s10+$0xD0];
	[tilespmem:s10+$0x30] =	vst v10;
	v4 =	vmul.f32 v2, v4;
	v13 =	vor.u32 $0x480, v13  }
0x112: {  	v10 =	vld [tilespmem:s10+$0xE0];
	[tilespmem:s10+$0x40] =	vst v3;
	v3 =	vmul.f32 v2, v5;
	v13 =	vbroadcast v13, $0x0  }
0x113: {  	s14 =	sadd.s32 $0x200, s10;
	v5 =	vld.idx.msk [tilespmem:v6+s3+$0x0], $0xffff;
	[tilespmem:s10+$0x50] =	vst v4;
	v2 =	vmul.f32 v2, v7  }
0x114: {  	[tilespmem:s10+$0x60] =	vst v3;
	v3 =	vmul.f32 v1, v8;
	v8 =	vld [tilespmem:s14+$0xF0]  }
0x115: {  	[tilespmem:s10+$0x70] =	vst v2;
	v2 =	vmul.f32 v1, v14;
	v4 =	vld.idx.msk [tilespmem:v12+s3+$0x0], $0xffff  }
0x116: {  	[tilespmem:s10+$0x80] =	vst v3;
	v3 =	vmul.f32 v1, v15;
	v6 =	vld.idx.msk [tilespmem:v11+s3+$0x0], $0xffff  }
0x117: {  	[tilespmem:s10+$0x90] =	vst v2;
	v2 =	vmul.f32 v1, v16;
	v11 =	vld [tilespmem:s14+$0xFFFFFF00]  }
0x118: {  	[tilespmem:s10+$0xA0] =	vst v3;
	v3 =	vmul.f32 v1, v17;
	v7 =	vld.idx.msk [tilespmem:v13+s3+$0x0], $0xffff  }
0x119: {  	v12 =	vld [tilespmem:s14+$0xFFFFFF10];
	[tilespmem:s13+$0xB0] =	vst v2;
	v2 =	vmul.f32 v1, v9  }
0x11a: {  	v9 =	vld [tilespmem:s14+$0xFFFFFF20];
	v1 =	vmul.f32 v1, v10;
	[tilespmem:s13+$0xC0] =	vst v3  }
0x11b: {  	v3 =	vld [tilespmem:s14+$0xFFFFFF30];
	[tilespmem:s13+$0xD0] =	vst v2  }
0x11c: {  	v2 =	vld [tilespmem:s14+$0xFFFFFF40];
	[tilespmem:s13+$0xE0] =	vst v1;
	v1 =	vmul.f32 v5, v11  }
0x11d: {  	v10 =	vld [tilespmem:s14+$0xFFFFFF50];
	v8 =	vmul.f32 v7, v8  }
0x11e: {  	v11 =	vmul.f32 v5, v12;
	v12 =	vld [tilespmem:s14+$0xFFFFFF60];
	[tilespmem:s14+$0xFFFFFF00] =	vst v1  }
0x11f: {  	v1 =	vmul.f32 v5, v9;
	[tilespmem:s14+$0xF0] =	vst v8;
	v8 =	vld [tilespmem:s14+$0xFFFFFF70]  }
0x120: {  	[tilespmem:s14+$0xFFFFFF10] =	vst v11;
	v9 =	vld [tilespmem:s14+$0xFFFFFF80];
	v3 =	vmul.f32 v5, v3  }
0x121: {  	[tilespmem:s14+$0xFFFFFF20] =	vst v1;
	v1 =	vmul.f32 v5, v2;
	v2 =	vld [tilespmem:s14+$0xFFFFFF90]  }
0x122: {  	[tilespmem:s14+$0xFFFFFF30] =	vst v3;
	v3 =	vmul.f32 v5, v10;
	v10 =	vld [tilespmem:s14+$0xFFFFFFA0]  }
0x123: {  	v11 =	vld [tilespmem:s14+$0xFFFFFFB0];
	[tilespmem:s14+$0xFFFFFF40] =	vst v1;
	v1 =	vmul.f32 v5, v12  }
0x124: {  	[tilespmem:s14+$0xFFFFFF50] =	vst v3;
	v3 =	vmul.f32 v5, v8;
	v5 =	vld [tilespmem:s14+$0xFFFFFFC0]  }
0x125: {  	[tilespmem:s14+$0xFFFFFF60] =	vst v1;
	v1 =	vmul.f32 v4, v9;
	v8 =	vld [tilespmem:s14+$0xFFFFFFD0]  }
0x126: {  	v2 =	vmul.f32 v4, v2;
	[tilespmem:s14+$0xFFFFFF70] =	vst v3;
	v3 =	vld [tilespmem:s14+$0xFFFFFFE0]  }
0x127: {  	v9 =	vld [tilespmem:s14+$0xFFFFFFF0];
	[tilespmem:s14+$0xFFFFFF80] =	vst v1;
	v1 =	vmul.f32 v4, v10  }
0x128: {  	v10 =	vld [tilespmem:s14+$0x0];
	[tilespmem:s14+$0xFFFFFF90] =	vst v2;
	v2 =	vmul.f32 v4, v11  }
0x129: {  	[tilespmem:s14+$0xFFFFFFA0] =	vst v1;
	v1 =	vmul.f32 v4, v5;
	v5 =	vld [tilespmem:s14+$0x10]  }
0x12a: {  	[tilespmem:s14+$0xFFFFFFB0] =	vst v2;
	v2 =	vmul.f32 v4, v8;
	v8 =	vld [tilespmem:s14+$0x20]  }
0x12b: {  	[tilespmem:s14+$0xFFFFFFC0] =	vst v1;
	v1 =	vmul.f32 v4, v3;
	v3 =	vld [tilespmem:s14+$0x30]  }
0x12c: {  	[tilespmem:s14+$0xFFFFFFD0] =	vst v2;
	v2 =	vmul.f32 v4, v9;
	v4 =	vld [tilespmem:s14+$0x40]  }
0x12d: {  	v9 =	vld [tilespmem:s14+$0x50];
	[tilespmem:s14+$0xFFFFFFE0] =	vst v1;
	v1 =	vmul.f32 v6, v10  }
0x12e: {  	[tilespmem:s14+$0xFFFFFFF0] =	vst v2;
	v2 =	vmul.f32 v6, v5;
	v5 =	vld [tilespmem:s14+$0x60]  }
0x12f: {  	[tilespmem:s14+$0x0] =	vst v1;
	v1 =	vmul.f32 v6, v8;
	v8 =	vld [tilespmem:s14+$0x70]  }
0x130: {  	[tilespmem:s14+$0x10] =	vst v2;
	v2 =	vmul.f32 v6, v3;
	v3 =	vld [tilespmem:s14+$0x80]  }
0x131: {  	[tilespmem:s14+$0x20] =	vst v1;
	v1 =	vmul.f32 v6, v4;
	v4 =	vld [tilespmem:s14+$0x90]  }
0x132: {  	[tilespmem:s14+$0x30] =	vst v2;
	v2 =	vmul.f32 v6, v9;
	v9 =	vld [tilespmem:s14+$0xA0]  }
0x133: {  	[tilespmem:s14+$0x40] =	vst v1;
	v1 =	vmul.f32 v6, v5;
	v5 =	vld [tilespmem:s14+$0xB0]  }
0x134: {  	[tilespmem:s14+$0x50] =	vst v2;
	v2 =	vmul.f32 v6, v8;
	v6 =	vld [tilespmem:s14+$0xC0]  }
0x135: {  	[tilespmem:s14+$0x60] =	vst v1;
	v1 =	vmul.f32 v7, v3;
	v3 =	vld [tilespmem:s14+$0xD0]  }
0x136: {  	[tilespmem:s14+$0x70] =	vst v2;
	v2 =	vmul.f32 v7, v4;
	v4 =	vld [tilespmem:s14+$0xE0]  }
0x137: {  	[tilespmem:s14+$0x80] =	vst v1;
	v1 =	vmul.f32 v7, v9  }
0x138: {  	s15 =	simm.s32 $0x0;
	[tilespmem:s14+$0x90] =	vst v2;
	v2 =	vmul.f32 v7, v5  }
0x139: {  	v5 =	vmov s15;
	[tilespmem:s14+$0xA0] =	vst v1;
	v1 =	vmul.f32 v7, v6  }
0x13a: {  	[tilespmem:s14+$0xB0] =	vst v2;
	v2 =	vmul.f32 v7, v3;
	v3 =	vand.u32 $0x7C, v5  }
0x13b: {  	[tilespmem:s14+$0xC0] =	vst v1;
	v1 =	vmul.f32 v7, v4;
	v3 =	vor.u32 $0x500, v3  }
0x13c: {  	[tilespmem:s14+$0xD0] =	vst v2;
	v2 =	vbroadcast v3, $0x0  }
0x13d: {  	s13 =	simm.s32 $0x3;
	[tilespmem:s14+$0xE0] =	vst v1  }
0x13e: {  	[spmem:s2] =	stream.indirect.scatter.add.f32 [tilespmem:s19], [sflag:$0x5], $0x80, s28, s18, $0xb8;
	[tilespmem:$0x1FE80] =	vst v63  }
0x13f: {  	v5 =	vmov s13;
	_ =	swait.ge [sflag:s29], $0x4000  }
0x140: {  	v4 =	vand.u32 $0x7F, v5;
	[sflag:s29] =	ssyncset.done $0x0  }
0x141: {  	v3 =	vor.u32 $0x500, v4;
	[sflag:s29] =	ssyncadd.s32 $0xFFFFC000  }
0x142: {  	s10 =	simm.s32 $0x8700;
	v1 =	vbroadcast v3, $0x0;
	v3 =	vld.idx.msk [tilespmem:v2+s3+$0x0], $0xffff  }
0x143: {  	v4 =	vld [tilespmem:s10+$0xF0]  }
0x144: {  	s15 =	simm.s32 $0x1;
	v5 =	vld [tilespmem:s10+$0xFFFFFF00]  }
0x145: {  	v2 =	vmov s15;
	v6 =	vld [tilespmem:s10+$0xFFFFFF10]  }
0x146: {  	v7 =	vld [tilespmem:s10+$0xFFFFFF20];
	v2 =	vand.u32 $0x7D, v2  }
0x147: {  	v8 =	vld [tilespmem:s10+$0xFFFFFF30];
	v2 =	vor.u32 $0x500, v2  }
0x148: {  	v11 =	vld [tilespmem:s10+$0xFFFFFF60];
	v2 =	vbroadcast v2, $0x0  }
0x149: {  	v1 =	vld.idx.msk [tilespmem:v1+s3+$0x0], $0xffff  }
0x14a: {  	v9 =	vld [tilespmem:s10+$0xFFFFFF40];
	v5 =	vmul.f32 v3, v5  }
0x14b: {  	v10 =	vld [tilespmem:s10+$0xFFFFFF50];
	v6 =	vmul.f32 v3, v6  }
0x14c: {  	[tilespmem:s10+$0xFFFFFF00] =	vst v5;
	v5 =	vld [tilespmem:s10+$0xFFFFFF70]  }
0x14d: {  	s14 =	simm.s32 $0x2;
	v11 =	vmul.f32 v3, v11;
	[tilespmem:s10+$0xFFFFFF10] =	vst v6;
	v6 =	vmul.f32 v3, v8;
	v8 =	vld [tilespmem:s10+$0xFFFFFFA0]  }
0x14e: {  	v12 =	vmov s14;
	v4 =	vmul.f32 v1, v4;
	v13 =	vld.idx.msk [tilespmem:v2+s3+$0x0], $0xffff  }
0x14f: {  	[tilespmem:s10+$0xFFFFFF60] =	vst v11;
	v2 =	vand.u32 $0x7E, v12;
	v12 =	vld [tilespmem:s10+$0xFFFFFF80]  }
0x150: {  	[tilespmem:s10+$0xF0] =	vst v4;
	v4 =	vmul.f32 v3, v7;
	v7 =	vld [tilespmem:s10+$0xFFFFFF90];
	v2 =	vor.u32 $0x500, v2  }
0x151: {  	[tilespmem:s10+$0xFFFFFF30] =	vst v6;
	v6 =	vmul.f32 v3, v10;
	v10 =	vld [tilespmem:s10+$0xFFFFFFC0];
	v2 =	vbroadcast v2, $0x0  }
0x152: {  	[tilespmem:s10+$0xFFFFFF20] =	vst v4;
	v4 =	vmul.f32 v3, v9;
	v9 =	vld [tilespmem:s10+$0xFFFFFFB0]  }
0x153: {  	[tilespmem:s10+$0xFFFFFF50] =	vst v6;
	v6 =	vld [tilespmem:s10+$0xFFFFFFE0];
	v3 =	vmul.f32 v3, v5  }
0x154: {  	[tilespmem:s10+$0xFFFFFF40] =	vst v4;
	v5 =	vld [tilespmem:s10+$0xFFFFFFF0];
	v4 =	vmul.f32 v13, v12  }
0x155: {  	v12 =	vld [tilespmem:s10+$0xFFFFFFD0];
	[tilespmem:s10+$0xFFFFFF70] =	vst v3;
	v3 =	vmul.f32 v13, v8  }
0x156: {  	[tilespmem:s10+$0xFFFFFF80] =	vst v4;
	v4 =	vmul.f32 v13, v7;
	v7 =	vld [tilespmem:s10+$0x0]  }
0x157: {  	[tilespmem:s10+$0xFFFFFFA0] =	vst v3;
	v3 =	vmul.f32 v13, v10;
	v2 =	vld.idx.msk [tilespmem:v2+s3+$0x0], $0xffff  }
0x158: {  	v8 =	vld [tilespmem:s10+$0x10];
	[tilespmem:s10+$0xFFFFFF90] =	vst v4;
	v4 =	vmul.f32 v13, v9  }
0x159: {  	s15 =	simm.s32 $0x4;
	v6 =	vmul.f32 v13, v6;
	v9 =	vld [tilespmem:s10+$0x20];
	[tilespmem:s10+$0xFFFFFFC0] =	vst v3  }
0x15a: {  	v11 =	vmov s15;
	v10 =	vld [tilespmem:s10+$0x30];
	[tilespmem:s10+$0xFFFFFFB0] =	vst v4;
	v4 =	vmul.f32 v13, v12  }
0x15b: {  	v11 =	vand.u32 $0x7C, v11;
	v3 =	vld [tilespmem:s10+$0x40];
	[tilespmem:s10+$0xFFFFFFE0] =	vst v6;
	v12 =	vmul.f32 v13, v5  }
0x15c: {  	s14 =	simm.s32 $0x5;
	s15 =	simm.s32 $0x6;
	v6 =	vor.u32 $0x500, v11;
	[tilespmem:s10+$0xFFFFFFD0] =	vst v4;
	v7 =	vmul.f32 v2, v7;
	v4 =	vld [tilespmem:s10+$0x50]  }
0x15d: {  	v11 =	vmov s15;
	v13 =	vmov s14;
	v5 =	vld [tilespmem:s10+$0x60];
	v8 =	vmul.f32 v2, v8;
	[tilespmem:s10+$0xFFFFFFF0] =	vst v12  }
0x15e: {  	v11 =	vand.u32 $0x7E, v11;
	v12 =	vand.u32 $0x7D, v13;
	v9 =	vmul.f32 v2, v9;
	[tilespmem:s10+$0x0] =	vst v7;
	v7 =	vld [tilespmem:s10+$0x70]  }
0x15f: {  	s13 =	simm.s32 $0x8700;
	s15 =	simm.s32 $0x7;
	v6 =	vbroadcast v6, $0x0;
	s14 =	simm.s32 $0x8;
	v10 =	vmul.f32 v2, v10;
	v12 =	vor.u32 $0x500, v12;
	[tilespmem:s10+$0x10] =	vst v8;
	v8 =	vld [tilespmem:s10+$0x80]  }
.LBB2_9:
0x160: {  	p1 =	slt.u32 s14, $0x7C;
	v11 =	vor.u32 $0x500, v11;
	v13 =	vmov s15;
	[tilespmem:s10+$0x20] =	vst v9;
	v3 =	vmul.f32 v2, v3;
	v9 =	vld [tilespmem:s10+$0x90]  }
0x161: {  	v12 =	vbroadcast v12, $0x0;
	v13 =	vand.u32 $0x7F, v13;
	[tilespmem:s10+$0x30] =	vst v10;
	v4 =	vmul.f32 v2, v4;
	v10 =	vld [tilespmem:s10+$0xA0]  }
0x162: {  	v11 =	vbroadcast v11, $0x0;
	v13 =	vor.u32 $0x500, v13;
	[tilespmem:s10+$0x40] =	vst v3;
	v3 =	vmul.f32 v2, v5;
	v5 =	vld [tilespmem:s10+$0xB0]  }
0x163: {  	v13 =	vbroadcast v13, $0x0;
	[tilespmem:s10+$0x50] =	vst v4;
	v2 =	vmul.f32 v2, v7;
	v4 =	vld [tilespmem:s10+$0xC0]  }
0x164: {  	[tilespmem:s10+$0x60] =	vst v3;
	v3 =	vmul.f32 v1, v8;
	v7 =	vld [tilespmem:s10+$0xD0]  }
0x165: {  	[tilespmem:s10+$0x70] =	vst v2;
	v2 =	vmul.f32 v1, v9;
	v8 =	vld [tilespmem:s10+$0xE0]  }
0x166: {  	v6 =	vld.idx.msk [tilespmem:v6+s3+$0x0], $0xffff;
	[tilespmem:s10+$0x80] =	vst v3;
	v3 =	vmul.f32 v1, v10  }
0x167: {  	v9 =	vld.idx.msk [tilespmem:v12+s3+$0x0], $0xffff;
	[tilespmem:s10+$0x90] =	vst v2;
	v5 =	vmul.f32 v1, v5  }
0x168: {  	v2 =	vld.idx.msk [tilespmem:v11+s3+$0x0], $0xffff;
	[tilespmem:s10+$0xA0] =	vst v3;
	v3 =	vmul.f32 v1, v4  }
0x169: {  	s10 =	sadd.s32 $0x200, s10;
	v4 =	vld.idx.msk [tilespmem:v13+s3+$0x0], $0xffff;
	[tilespmem:s13+$0xB0] =	vst v5;
	v5 =	vmul.f32 v1, v7  }
0x16a: {  	v7 =	vld [tilespmem:s10+$0xF0];
	[tilespmem:s13+$0xC0] =	vst v3;
	v1 =	vmul.f32 v1, v8  }
0x16b: {  	v3 =	vld [tilespmem:s10+$0xFFFFFF00];
	[tilespmem:s13+$0xD0] =	vst v5  }
0x16c: {  	v5 =	vld [tilespmem:s10+$0xFFFFFF10];
	[tilespmem:s13+$0xE0] =	vst v1;
	s13 =	smov.u32 s10  }
0x16d: {  	v8 =	vld [tilespmem:s10+$0xFFFFFF20]  }
0x16e: {  	v10 =	vld [tilespmem:s10+$0xFFFFFF30]  }
0x16f: {  	v1 =	vmov v4;
	v11 =	vld [tilespmem:s10+$0xFFFFFF40];
	v7 =	vmul.f32 v4, v7  }
0x170: {  	v3 =	vmul.f32 v6, v3;
	v4 =	vld [tilespmem:s10+$0xFFFFFF50]  }
0x171: {  	v5 =	vmul.f32 v6, v5;
	v12 =	vld [tilespmem:s10+$0xFFFFFF60];
	[tilespmem:s10+$0xF0] =	vst v7  }
0x172: {  	[tilespmem:s10+$0xFFFFFF00] =	vst v3;
	v3 =	vmul.f32 v6, v8;
	v7 =	vld [tilespmem:s10+$0xFFFFFF70]  }
0x173: {  	[tilespmem:s10+$0xFFFFFF10] =	vst v5;
	v5 =	vmul.f32 v6, v10;
	v8 =	vld [tilespmem:s10+$0xFFFFFF80]  }
0x174: {  	[tilespmem:s10+$0xFFFFFF20] =	vst v3;
	v3 =	vmul.f32 v6, v11;
	v10 =	vld [tilespmem:s10+$0xFFFFFF90]  }
0x175: {  	[tilespmem:s10+$0xFFFFFF30] =	vst v5;
	v4 =	vmul.f32 v6, v4;
	v5 =	vld [tilespmem:s10+$0xFFFFFFA0]  }
0x176: {  	[tilespmem:s10+$0xFFFFFF40] =	vst v3;
	v3 =	vmul.f32 v6, v12;
	v11 =	vld [tilespmem:s10+$0xFFFFFFB0]  }
0x177: {  	[tilespmem:s10+$0xFFFFFF50] =	vst v4;
	v4 =	vmul.f32 v6, v7;
	v6 =	vld [tilespmem:s10+$0xFFFFFFC0]  }
0x178: {  	[tilespmem:s10+$0xFFFFFF60] =	vst v3;
	v3 =	vmul.f32 v9, v8;
	v7 =	vld [tilespmem:s10+$0xFFFFFFD0]  }
0x179: {  	[tilespmem:s10+$0xFFFFFF70] =	vst v4;
	v4 =	vmul.f32 v9, v10;
	v8 =	vld [tilespmem:s10+$0xFFFFFFE0]  }
0x17a: {  	[tilespmem:s10+$0xFFFFFF80] =	vst v3;
	v3 =	vmul.f32 v9, v5;
	v5 =	vld [tilespmem:s10+$0xFFFFFFF0]  }
0x17b: {  	[tilespmem:s10+$0xFFFFFF90] =	vst v4;
	v4 =	vmul.f32 v9, v11;
	v10 =	vld [tilespmem:s10+$0x0]  }
0x17c: {  	[tilespmem:s10+$0xFFFFFFA0] =	vst v3;
	v3 =	vmul.f32 v9, v6;
	v6 =	vld [tilespmem:s10+$0x10]  }
0x17d: {  	[tilespmem:s10+$0xFFFFFFB0] =	vst v4;
	v4 =	vmul.f32 v9, v7;
	v7 =	vld [tilespmem:s10+$0x20]  }
0x17e: {  	[tilespmem:s10+$0xFFFFFFC0] =	vst v3;
	v8 =	vmul.f32 v9, v8;
	v13 =	vld [tilespmem:s10+$0x30]  }
.Ltmp3:
0x17f: {  	s15 =	sadd.s32 $0x1, s14;
	v11 =	vmov s14;
	[tilespmem:s10+$0xFFFFFFD0] =	vst v4;
	v5 =	vmul.f32 v9, v5;
	v3 =	vld [tilespmem:s10+$0x40];
	(pc) =	sbr.rel @p1 .LBB2_9-.Ltmp3, $4  }
0x180: {  	v9 =	vand.u32 $0x7C, v11;
	v11 =	vmov s15;
	s15 =	sadd.s32 $0x2, s14;
	[tilespmem:s10+$0xFFFFFFE0] =	vst v8;
	v8 =	vmul.f32 v2, v10;
	v4 =	vld [tilespmem:s10+$0x50]  }
0x181: {  	v10 =	vor.u32 $0x500, v9;
	v9 =	vmov s15;
	[tilespmem:s10+$0xFFFFFFF0] =	vst v5;
	v14 =	vmul.f32 v2, v6;
	v5 =	vld [tilespmem:s10+$0x60]  }
0x182: {  	v12 =	vand.u32 $0x7D, v11;
	v11 =	vand.u32 $0x7E, v9;
	[tilespmem:s10+$0x0] =	vst v8;
	v9 =	vmul.f32 v2, v7;
	v7 =	vld [tilespmem:s10+$0x70]  }
0x183: {  	s15 =	sadd.s32 $0x3, s14;
	s14 =	sadd.s32 $0x4, s14;
	v6 =	vbroadcast v10, $0x0;
	v12 =	vor.u32 $0x500, v12;
	[tilespmem:s10+$0x10] =	vst v14;
	v10 =	vmul.f32 v2, v13;
	v8 =	vld [tilespmem:s10+$0x80]  }
0x184: {  	v14 =	vld [tilespmem:s10+$0x90]  }
0x185: {  	v15 =	vld [tilespmem:s10+$0xA0]  }
0x186: {  	v13 =	vmov s15;
	v11 =	vor.u32 $0x500, v11;
	v12 =	vbroadcast v12, $0x0;
	v16 =	vld [tilespmem:s10+$0xB0]  }
0x187: {  	v17 =	vld [tilespmem:s10+$0xC0];
	[tilespmem:s10+$0x20] =	vst v9;
	v3 =	vmul.f32 v2, v3;
	v13 =	vand.u32 $0x7F, v13;
	v11 =	vbroadcast v11, $0x0  }
0x188: {  	v9 =	vld [tilespmem:s10+$0xD0];
	[tilespmem:s10+$0x30] =	vst v10;
	v4 =	vmul.f32 v2, v4;
	v13 =	vor.u32 $0x500, v13  }
0x189: {  	v10 =	vld [tilespmem:s10+$0xE0];
	[tilespmem:s10+$0x40] =	vst v3;
	v3 =	vmul.f32 v2, v5;
	v13 =	vbroadcast v13, $0x0  }
0x18a: {  	s14 =	sadd.s32 $0x200, s10;
	v5 =	vld.idx.msk [tilespmem:v6+s3+$0x0], $0xffff;
	[tilespmem:s10+$0x50] =	vst v4;
	v2 =	vmul.f32 v2, v7  }
0x18b: {  	[tilespmem:s10+$0x60] =	vst v3;
	v3 =	vmul.f32 v1, v8;
	v8 =	vld [tilespmem:s14+$0xF0]  }
0x18c: {  	[tilespmem:s10+$0x70] =	vst v2;
	v2 =	vmul.f32 v1, v14;
	v4 =	vld.idx.msk [tilespmem:v12+s3+$0x0], $0xffff  }
0x18d: {  	[tilespmem:s10+$0x80] =	vst v3;
	v3 =	vmul.f32 v1, v15;
	v6 =	vld.idx.msk [tilespmem:v11+s3+$0x0], $0xffff  }
0x18e: {  	[tilespmem:s10+$0x90] =	vst v2;
	v2 =	vmul.f32 v1, v16;
	v11 =	vld [tilespmem:s14+$0xFFFFFF00]  }
0x18f: {  	[tilespmem:s10+$0xA0] =	vst v3;
	v3 =	vmul.f32 v1, v17;
	v7 =	vld.idx.msk [tilespmem:v13+s3+$0x0], $0xffff  }
0x190: {  	v12 =	vld [tilespmem:s14+$0xFFFFFF10];
	[tilespmem:s13+$0xB0] =	vst v2;
	v2 =	vmul.f32 v1, v9  }
0x191: {  	v9 =	vld [tilespmem:s14+$0xFFFFFF20];
	v1 =	vmul.f32 v1, v10;
	[tilespmem:s13+$0xC0] =	vst v3  }
0x192: {  	v3 =	vld [tilespmem:s14+$0xFFFFFF30];
	[tilespmem:s13+$0xD0] =	vst v2  }
0x193: {  	v2 =	vld [tilespmem:s14+$0xFFFFFF40];
	[tilespmem:s13+$0xE0] =	vst v1;
	v1 =	vmul.f32 v5, v11  }
0x194: {  	v10 =	vld [tilespmem:s14+$0xFFFFFF50];
	v8 =	vmul.f32 v7, v8  }
0x195: {  	v11 =	vmul.f32 v5, v12;
	v12 =	vld [tilespmem:s14+$0xFFFFFF60];
	[tilespmem:s14+$0xFFFFFF00] =	vst v1  }
0x196: {  	v1 =	vmul.f32 v5, v9;
	[tilespmem:s14+$0xF0] =	vst v8;
	v8 =	vld [tilespmem:s14+$0xFFFFFF70]  }
0x197: {  	[tilespmem:s14+$0xFFFFFF10] =	vst v11;
	v9 =	vld [tilespmem:s14+$0xFFFFFF80];
	v3 =	vmul.f32 v5, v3  }
0x198: {  	[tilespmem:s14+$0xFFFFFF20] =	vst v1;
	v1 =	vmul.f32 v5, v2;
	v2 =	vld [tilespmem:s14+$0xFFFFFF90]  }
0x199: {  	[tilespmem:s14+$0xFFFFFF30] =	vst v3;
	v3 =	vmul.f32 v5, v10;
	v10 =	vld [tilespmem:s14+$0xFFFFFFA0]  }
0x19a: {  	v11 =	vld [tilespmem:s14+$0xFFFFFFB0];
	[tilespmem:s14+$0xFFFFFF40] =	vst v1;
	v1 =	vmul.f32 v5, v12  }
0x19b: {  	[tilespmem:s14+$0xFFFFFF50] =	vst v3;
	v3 =	vmul.f32 v5, v8;
	v5 =	vld [tilespmem:s14+$0xFFFFFFC0]  }
0x19c: {  	[tilespmem:s14+$0xFFFFFF60] =	vst v1;
	v1 =	vmul.f32 v4, v9;
	v8 =	vld [tilespmem:s14+$0xFFFFFFD0]  }
0x19d: {  	v2 =	vmul.f32 v4, v2;
	[tilespmem:s14+$0xFFFFFF70] =	vst v3;
	v3 =	vld [tilespmem:s14+$0xFFFFFFE0]  }
0x19e: {  	v9 =	vld [tilespmem:s14+$0xFFFFFFF0];
	[tilespmem:s14+$0xFFFFFF80] =	vst v1;
	v1 =	vmul.f32 v4, v10  }
0x19f: {  	v10 =	vld [tilespmem:s14+$0x0];
	[tilespmem:s14+$0xFFFFFF90] =	vst v2;
	v2 =	vmul.f32 v4, v11  }
0x1a0: {  	[tilespmem:s14+$0xFFFFFFA0] =	vst v1;
	v1 =	vmul.f32 v4, v5;
	v5 =	vld [tilespmem:s14+$0x10]  }
0x1a1: {  	[tilespmem:s14+$0xFFFFFFB0] =	vst v2;
	v2 =	vmul.f32 v4, v8;
	v8 =	vld [tilespmem:s14+$0x20]  }
0x1a2: {  	[tilespmem:s14+$0xFFFFFFC0] =	vst v1;
	v1 =	vmul.f32 v4, v3;
	v3 =	vld [tilespmem:s14+$0x30]  }
0x1a3: {  	[tilespmem:s14+$0xFFFFFFD0] =	vst v2;
	v2 =	vmul.f32 v4, v9;
	v4 =	vld [tilespmem:s14+$0x40]  }
0x1a4: {  	v9 =	vld [tilespmem:s14+$0x50];
	[tilespmem:s14+$0xFFFFFFE0] =	vst v1;
	v1 =	vmul.f32 v6, v10  }
0x1a5: {  	[tilespmem:s14+$0xFFFFFFF0] =	vst v2;
	v2 =	vmul.f32 v6, v5;
	v5 =	vld [tilespmem:s14+$0x60]  }
0x1a6: {  	[tilespmem:s14+$0x0] =	vst v1;
	v1 =	vmul.f32 v6, v8;
	v8 =	vld [tilespmem:s14+$0x70]  }
0x1a7: {  	[tilespmem:s14+$0x10] =	vst v2;
	v2 =	vmul.f32 v6, v3;
	v3 =	vld [tilespmem:s14+$0x80]  }
0x1a8: {  	[tilespmem:s14+$0x20] =	vst v1;
	v1 =	vmul.f32 v6, v4;
	v4 =	vld [tilespmem:s14+$0x90]  }
0x1a9: {  	[tilespmem:s14+$0x30] =	vst v2;
	v2 =	vmul.f32 v6, v9;
	v9 =	vld [tilespmem:s14+$0xA0]  }
0x1aa: {  	[tilespmem:s14+$0x40] =	vst v1;
	v1 =	vmul.f32 v6, v5;
	v5 =	vld [tilespmem:s14+$0xB0]  }
0x1ab: {  	[tilespmem:s14+$0x50] =	vst v2;
	v2 =	vmul.f32 v6, v8;
	v6 =	vld [tilespmem:s14+$0xC0]  }
0x1ac: {  	[tilespmem:s14+$0x60] =	vst v1;
	v1 =	vmul.f32 v7, v3;
	v3 =	vld [tilespmem:s14+$0xD0]  }
0x1ad: {  	[tilespmem:s14+$0x70] =	vst v2;
	v2 =	vmul.f32 v7, v4;
	v4 =	vld [tilespmem:s14+$0xE0]  }
0x1ae: {  	[tilespmem:s14+$0x80] =	vst v1;
	v1 =	vmul.f32 v7, v9  }
0x1af: {  	s15 =	simm.s32 $0x0;
	[tilespmem:s14+$0x90] =	vst v2;
	v2 =	vmul.f32 v7, v5  }
0x1b0: {  	v5 =	vmov s15;
	[tilespmem:s14+$0xA0] =	vst v1;
	v1 =	vmul.f32 v7, v6  }
0x1b1: {  	[tilespmem:s14+$0xB0] =	vst v2;
	v2 =	vmul.f32 v7, v3;
	v3 =	vand.u32 $0x7C, v5  }
0x1b2: {  	[tilespmem:s14+$0xC0] =	vst v1;
	v1 =	vmul.f32 v7, v4;
	v3 =	vor.u32 $0x580, v3  }
0x1b3: {  	[tilespmem:s14+$0xD0] =	vst v2;
	v2 =	vbroadcast v3, $0x0  }
0x1b4: {  	s13 =	simm.s32 $0x3;
	[tilespmem:s14+$0xE0] =	vst v1  }
0x1b5: {  	[spmem:s2] =	stream.indirect.scatter.add.f32 [tilespmem:s22], [sflag:$0x6], $0x80, s30, s18, $0xb8;
	[tilespmem:$0x1FE80] =	vst v63  }
0x1b6: {  	v5 =	vmov s13;
	_ =	swait.ge [sflag:s20], $0x4000  }
0x1b7: {  	v4 =	vand.u32 $0x7F, v5;
	[sflag:s20] =	ssyncset.done $0x0  }
0x1b8: {  	v3 =	vor.u32 $0x580, v4;
	[sflag:s20] =	ssyncadd.s32 $0xFFFFC000  }
0x1b9: {  	s10 =	simm.s32 $0x700;
	v1 =	vbroadcast v3, $0x0;
	v3 =	vld.idx.msk [tilespmem:v2+s3+$0x0], $0xffff  }
0x1ba: {  	v4 =	vld [tilespmem:s10+$0xF0]  }
0x1bb: {  	s15 =	simm.s32 $0x1;
	v5 =	vld [tilespmem:s10+$0xFFFFFF00]  }
0x1bc: {  	v2 =	vmov s15;
	v6 =	vld [tilespmem:s10+$0xFFFFFF10]  }
0x1bd: {  	v7 =	vld [tilespmem:s10+$0xFFFFFF20];
	v2 =	vand.u32 $0x7D, v2  }
0x1be: {  	v8 =	vld [tilespmem:s10+$0xFFFFFF30];
	v2 =	vor.u32 $0x580, v2  }
0x1bf: {  	v11 =	vld [tilespmem:s10+$0xFFFFFF60];
	v2 =	vbroadcast v2, $0x0  }
0x1c0: {  	v1 =	vld.idx.msk [tilespmem:v1+s3+$0x0], $0xffff  }
0x1c1: {  	v9 =	vld [tilespmem:s10+$0xFFFFFF40];
	v5 =	vmul.f32 v3, v5  }
0x1c2: {  	v10 =	vld [tilespmem:s10+$0xFFFFFF50];
	v6 =	vmul.f32 v3, v6  }
0x1c3: {  	[tilespmem:s10+$0xFFFFFF00] =	vst v5;
	v5 =	vld [tilespmem:s10+$0xFFFFFF70]  }
0x1c4: {  	s14 =	simm.s32 $0x2;
	v11 =	vmul.f32 v3, v11;
	[tilespmem:s10+$0xFFFFFF10] =	vst v6;
	v6 =	vmul.f32 v3, v8;
	v8 =	vld [tilespmem:s10+$0xFFFFFFA0]  }
0x1c5: {  	v12 =	vmov s14;
	v4 =	vmul.f32 v1, v4;
	v13 =	vld.idx.msk [tilespmem:v2+s3+$0x0], $0xffff  }
0x1c6: {  	[tilespmem:s10+$0xFFFFFF60] =	vst v11;
	v2 =	vand.u32 $0x7E, v12;
	v12 =	vld [tilespmem:s10+$0xFFFFFF80]  }
0x1c7: {  	[tilespmem:s10+$0xF0] =	vst v4;
	v4 =	vmul.f32 v3, v7;
	v7 =	vld [tilespmem:s10+$0xFFFFFF90];
	v2 =	vor.u32 $0x580, v2  }
0x1c8: {  	[tilespmem:s10+$0xFFFFFF30] =	vst v6;
	v6 =	vmul.f32 v3, v10;
	v10 =	vld [tilespmem:s10+$0xFFFFFFC0];
	v2 =	vbroadcast v2, $0x0  }
0x1c9: {  	[tilespmem:s10+$0xFFFFFF20] =	vst v4;
	v4 =	vmul.f32 v3, v9;
	v9 =	vld [tilespmem:s10+$0xFFFFFFB0]  }
0x1ca: {  	[tilespmem:s10+$0xFFFFFF50] =	vst v6;
	v6 =	vld [tilespmem:s10+$0xFFFFFFE0];
	v3 =	vmul.f32 v3, v5  }
0x1cb: {  	[tilespmem:s10+$0xFFFFFF40] =	vst v4;
	v5 =	vld [tilespmem:s10+$0xFFFFFFF0];
	v4 =	vmul.f32 v13, v12  }
0x1cc: {  	v12 =	vld [tilespmem:s10+$0xFFFFFFD0];
	[tilespmem:s10+$0xFFFFFF70] =	vst v3;
	v3 =	vmul.f32 v13, v8  }
0x1cd: {  	[tilespmem:s10+$0xFFFFFF80] =	vst v4;
	v4 =	vmul.f32 v13, v7;
	v7 =	vld [tilespmem:s10+$0x0]  }
0x1ce: {  	[tilespmem:s10+$0xFFFFFFA0] =	vst v3;
	v3 =	vmul.f32 v13, v10;
	v2 =	vld.idx.msk [tilespmem:v2+s3+$0x0], $0xffff  }
0x1cf: {  	v8 =	vld [tilespmem:s10+$0x10];
	[tilespmem:s10+$0xFFFFFF90] =	vst v4;
	v4 =	vmul.f32 v13, v9  }
0x1d0: {  	s15 =	simm.s32 $0x4;
	v6 =	vmul.f32 v13, v6;
	v9 =	vld [tilespmem:s10+$0x20];
	[tilespmem:s10+$0xFFFFFFC0] =	vst v3  }
0x1d1: {  	v11 =	vmov s15;
	v10 =	vld [tilespmem:s10+$0x30];
	[tilespmem:s10+$0xFFFFFFB0] =	vst v4;
	v4 =	vmul.f32 v13, v12  }
0x1d2: {  	v11 =	vand.u32 $0x7C, v11;
	v3 =	vld [tilespmem:s10+$0x40];
	[tilespmem:s10+$0xFFFFFFE0] =	vst v6;
	v12 =	vmul.f32 v13, v5  }
0x1d3: {  	s14 =	simm.s32 $0x5;
	s15 =	simm.s32 $0x6;
	v6 =	vor.u32 $0x580, v11;
	[tilespmem:s10+$0xFFFFFFD0] =	vst v4;
	v7 =	vmul.f32 v2, v7;
	v4 =	vld [tilespmem:s10+$0x50]  }
0x1d4: {  	v11 =	vmov s15;
	v13 =	vmov s14;
	v5 =	vld [tilespmem:s10+$0x60];
	v8 =	vmul.f32 v2, v8;
	[tilespmem:s10+$0xFFFFFFF0] =	vst v12  }
0x1d5: {  	v11 =	vand.u32 $0x7E, v11;
	v12 =	vand.u32 $0x7D, v13;
	v9 =	vmul.f32 v2, v9;
	[tilespmem:s10+$0x0] =	vst v7;
	v7 =	vld [tilespmem:s10+$0x70]  }
0x1d6: {  	s13 =	simm.s32 $0x700;
	s15 =	simm.s32 $0x7;
	v6 =	vbroadcast v6, $0x0;
	s14 =	simm.s32 $0x8;
	v10 =	vmul.f32 v2, v10;
	v12 =	vor.u32 $0x580, v12;
	[tilespmem:s10+$0x10] =	vst v8;
	v8 =	vld [tilespmem:s10+$0x80]  }
.LBB2_11:
0x1d7: {  	p1 =	slt.u32 s14, $0x7C;
	v11 =	vor.u32 $0x580, v11;
	v13 =	vmov s15;
	[tilespmem:s10+$0x20] =	vst v9;
	v3 =	vmul.f32 v2, v3;
	v9 =	vld [tilespmem:s10+$0x90]  }
0x1d8: {  	v12 =	vbroadcast v12, $0x0;
	v13 =	vand.u32 $0x7F, v13;
	[tilespmem:s10+$0x30] =	vst v10;
	v4 =	vmul.f32 v2, v4;
	v10 =	vld [tilespmem:s10+$0xA0]  }
0x1d9: {  	v11 =	vbroadcast v11, $0x0;
	v13 =	vor.u32 $0x580, v13;
	[tilespmem:s10+$0x40] =	vst v3;
	v3 =	vmul.f32 v2, v5;
	v5 =	vld [tilespmem:s10+$0xB0]  }
0x1da: {  	v13 =	vbroadcast v13, $0x0;
	[tilespmem:s10+$0x50] =	vst v4;
	v2 =	vmul.f32 v2, v7;
	v4 =	vld [tilespmem:s10+$0xC0]  }
0x1db: {  	[tilespmem:s10+$0x60] =	vst v3;
	v3 =	vmul.f32 v1, v8;
	v7 =	vld [tilespmem:s10+$0xD0]  }
0x1dc: {  	[tilespmem:s10+$0x70] =	vst v2;
	v2 =	vmul.f32 v1, v9;
	v8 =	vld [tilespmem:s10+$0xE0]  }
0x1dd: {  	v6 =	vld.idx.msk [tilespmem:v6+s3+$0x0], $0xffff;
	[tilespmem:s10+$0x80] =	vst v3;
	v3 =	vmul.f32 v1, v10  }
0x1de: {  	v9 =	vld.idx.msk [tilespmem:v12+s3+$0x0], $0xffff;
	[tilespmem:s10+$0x90] =	vst v2;
	v5 =	vmul.f32 v1, v5  }
0x1df: {  	v2 =	vld.idx.msk [tilespmem:v11+s3+$0x0], $0xffff;
	[tilespmem:s10+$0xA0] =	vst v3;
	v3 =	vmul.f32 v1, v4  }
0x1e0: {  	s10 =	sadd.s32 $0x200, s10;
	v4 =	vld.idx.msk [tilespmem:v13+s3+$0x0], $0xffff;
	[tilespmem:s13+$0xB0] =	vst v5;
	v5 =	vmul.f32 v1, v7  }
0x1e1: {  	v7 =	vld [tilespmem:s10+$0xF0];
	[tilespmem:s13+$0xC0] =	vst v3;
	v1 =	vmul.f32 v1, v8  }
0x1e2: {  	v3 =	vld [tilespmem:s10+$0xFFFFFF00];
	[tilespmem:s13+$0xD0] =	vst v5  }
0x1e3: {  	v5 =	vld [tilespmem:s10+$0xFFFFFF10];
	[tilespmem:s13+$0xE0] =	vst v1;
	s13 =	smov.u32 s10  }
0x1e4: {  	v8 =	vld [tilespmem:s10+$0xFFFFFF20]  }
0x1e5: {  	v10 =	vld [tilespmem:s10+$0xFFFFFF30]  }
0x1e6: {  	v1 =	vmov v4;
	v11 =	vld [tilespmem:s10+$0xFFFFFF40];
	v7 =	vmul.f32 v4, v7  }
0x1e7: {  	v3 =	vmul.f32 v6, v3;
	v4 =	vld [tilespmem:s10+$0xFFFFFF50]  }
0x1e8: {  	v5 =	vmul.f32 v6, v5;
	v12 =	vld [tilespmem:s10+$0xFFFFFF60];
	[tilespmem:s10+$0xF0] =	vst v7  }
0x1e9: {  	[tilespmem:s10+$0xFFFFFF00] =	vst v3;
	v3 =	vmul.f32 v6, v8;
	v7 =	vld [tilespmem:s10+$0xFFFFFF70]  }
0x1ea: {  	[tilespmem:s10+$0xFFFFFF10] =	vst v5;
	v5 =	vmul.f32 v6, v10;
	v8 =	vld [tilespmem:s10+$0xFFFFFF80]  }
0x1eb: {  	[tilespmem:s10+$0xFFFFFF20] =	vst v3;
	v3 =	vmul.f32 v6, v11;
	v10 =	vld [tilespmem:s10+$0xFFFFFF90]  }
0x1ec: {  	[tilespmem:s10+$0xFFFFFF30] =	vst v5;
	v4 =	vmul.f32 v6, v4;
	v5 =	vld [tilespmem:s10+$0xFFFFFFA0]  }
0x1ed: {  	[tilespmem:s10+$0xFFFFFF40] =	vst v3;
	v3 =	vmul.f32 v6, v12;
	v11 =	vld [tilespmem:s10+$0xFFFFFFB0]  }
0x1ee: {  	[tilespmem:s10+$0xFFFFFF50] =	vst v4;
	v4 =	vmul.f32 v6, v7;
	v6 =	vld [tilespmem:s10+$0xFFFFFFC0]  }
0x1ef: {  	[tilespmem:s10+$0xFFFFFF60] =	vst v3;
	v3 =	vmul.f32 v9, v8;
	v7 =	vld [tilespmem:s10+$0xFFFFFFD0]  }
0x1f0: {  	[tilespmem:s10+$0xFFFFFF70] =	vst v4;
	v4 =	vmul.f32 v9, v10;
	v8 =	vld [tilespmem:s10+$0xFFFFFFE0]  }
0x1f1: {  	[tilespmem:s10+$0xFFFFFF80] =	vst v3;
	v3 =	vmul.f32 v9, v5;
	v5 =	vld [tilespmem:s10+$0xFFFFFFF0]  }
0x1f2: {  	[tilespmem:s10+$0xFFFFFF90] =	vst v4;
	v4 =	vmul.f32 v9, v11;
	v10 =	vld [tilespmem:s10+$0x0]  }
0x1f3: {  	[tilespmem:s10+$0xFFFFFFA0] =	vst v3;
	v3 =	vmul.f32 v9, v6;
	v6 =	vld [tilespmem:s10+$0x10]  }
0x1f4: {  	[tilespmem:s10+$0xFFFFFFB0] =	vst v4;
	v4 =	vmul.f32 v9, v7;
	v7 =	vld [tilespmem:s10+$0x20]  }
0x1f5: {  	[tilespmem:s10+$0xFFFFFFC0] =	vst v3;
	v8 =	vmul.f32 v9, v8;
	v13 =	vld [tilespmem:s10+$0x30]  }
.Ltmp4:
0x1f6: {  	s15 =	sadd.s32 $0x1, s14;
	v11 =	vmov s14;
	[tilespmem:s10+$0xFFFFFFD0] =	vst v4;
	v5 =	vmul.f32 v9, v5;
	v3 =	vld [tilespmem:s10+$0x40];
	(pc) =	sbr.rel @p1 .LBB2_11-.Ltmp4, $4  }
0x1f7: {  	v9 =	vand.u32 $0x7C, v11;
	v11 =	vmov s15;
	s15 =	sadd.s32 $0x2, s14;
	[tilespmem:s10+$0xFFFFFFE0] =	vst v8;
	v8 =	vmul.f32 v2, v10;
	v4 =	vld [tilespmem:s10+$0x50]  }
0x1f8: {  	v10 =	vor.u32 $0x580, v9;
	v9 =	vmov s15;
	[tilespmem:s10+$0xFFFFFFF0] =	vst v5;
	v14 =	vmul.f32 v2, v6;
	v5 =	vld [tilespmem:s10+$0x60]  }
0x1f9: {  	v12 =	vand.u32 $0x7D, v11;
	v11 =	vand.u32 $0x7E, v9;
	[tilespmem:s10+$0x0] =	vst v8;
	v9 =	vmul.f32 v2, v7;
	v7 =	vld [tilespmem:s10+$0x70]  }
0x1fa: {  	s15 =	sadd.s32 $0x3, s14;
	s14 =	sadd.s32 $0x4, s14;
	v6 =	vbroadcast v10, $0x0;
	v12 =	vor.u32 $0x580, v12;
	[tilespmem:s10+$0x10] =	vst v14;
	v10 =	vmul.f32 v2, v13;
	v8 =	vld [tilespmem:s10+$0x80]  }
0x1fb: {  	v14 =	vld [tilespmem:s10+$0x90]  }
0x1fc: {  	v15 =	vld [tilespmem:s10+$0xA0]  }
0x1fd: {  	v16 =	vld [tilespmem:s10+$0xB0]  }
0x1fe: {  	v17 =	vld [tilespmem:s10+$0xC0];
	v3 =	vmul.f32 v2, v3  }
0x1ff: {  	v13 =	vmov s15;
	[tilespmem:s10+$0x20] =	vst v9;
	v32 =	vld [tilespmem:s10+$0xD0]  }
0x200: {  	v33 =	vld [tilespmem:s10+$0xE0];
	v13 =	vand.u32 $0x7F, v13;
	[tilespmem:s10+$0x40] =	vst v3;
	v3 =	vmul.f32 v2, v5  }
0x201: {  	s14 =	sadd.s32 $0x200, s10;
	[tilespmem:s10+$0x30] =	vst v10;
	v4 =	vmul.f32 v2, v4;
	v34 =	vld.idx.msk [tilespmem:v6+s3+$0x0], $0xffff;
	v13 =	vor.u32 $0x580, v13;
	v2 =	vmul.f32 v2, v7  }
0x202: {  	v38 =	vld [tilespmem:s14+$0xF0];
	v13 =	vbroadcast v13, $0x0;
	[tilespmem:s10+$0x60] =	vst v3;
	v3 =	vmul.f32 v1, v8  }
0x203: {  	v39 =	vld [tilespmem:s14+$0xFFFFFF00];
	[tilespmem:s10+$0x70] =	vst v2;
	v2 =	vmul.f32 v1, v14  }
0x204: {  	v40 =	vld [tilespmem:s14+$0xFFFFFF10];
	[tilespmem:s10+$0x80] =	vst v3;
	v3 =	vmul.f32 v1, v15  }
0x205: {  	v41 =	vld [tilespmem:s14+$0xFFFFFF20];
	[tilespmem:s10+$0x90] =	vst v2;
	v2 =	vmul.f32 v1, v16  }
0x206: {  	v42 =	vld [tilespmem:s14+$0xFFFFFF50];
	[tilespmem:s10+$0xA0] =	vst v3;
	v3 =	vmul.f32 v1, v17  }
0x207: {  	v44 =	vld [tilespmem:s14+$0xFFFFFF60];
	[tilespmem:s13+$0xB0] =	vst v2;
	v2 =	vmul.f32 v1, v32  }
0x208: {  	v12 =	vbroadcast v12, $0x0;
	v37 =	vld.idx.msk [tilespmem:v13+s3+$0x0], $0xffff;
	v1 =	vmul.f32 v1, v33;
	[tilespmem:s13+$0xC0] =	vst v3  }
0x209: {  	v3 =	vld [tilespmem:s14+$0xFFFFFF30];
	[tilespmem:s13+$0xD0] =	vst v2  }
0x20a: {  	v2 =	vld [tilespmem:s14+$0xFFFFFF40];
	[tilespmem:s13+$0xE0] =	vst v1;
	v1 =	vmul.f32 v34, v39  }
0x20b: {  	v45 =	vld [tilespmem:s14+$0xFFFFFF70];
	[tilespmem:s10+$0x50] =	vst v4;
	v43 =	vmul.f32 v34, v40  }
0x20c: {  	v46 =	vld [tilespmem:s14+$0xFFFFFF80];
	[tilespmem:s14+$0xFFFFFF00] =	vst v1;
	v1 =	vmul.f32 v34, v41  }
0x20d: {  	v47 =	vld [tilespmem:s14+$0xFFFFFFA0];
	[tilespmem:s14+$0xFFFFFF10] =	vst v43;
	v8 =	vmul.f32 v37, v38  }
0x20e: {  	v35 =	vld.idx.msk [tilespmem:v12+s3+$0x0], $0xffff;
	v3 =	vmul.f32 v34, v3;
	[tilespmem:s14+$0xFFFFFF20] =	vst v1  }
0x20f: {  	v11 =	vor.u32 $0x580, v11;
	[tilespmem:s14+$0xF0] =	vst v8;
	v1 =	vmul.f32 v34, v2;
	v2 =	vld [tilespmem:s14+$0xFFFFFF90]  }
0x210: {  	v11 =	vbroadcast v11, $0x0;
	v48 =	vld [tilespmem:s14+$0xFFFFFFB0];
	[tilespmem:s14+$0xFFFFFF30] =	vst v3;
	v3 =	vmul.f32 v34, v42  }
0x211: {  	v49 =	vld [tilespmem:s14+$0xFFFFFFC0];
	[tilespmem:s14+$0xFFFFFF40] =	vst v1;
	v1 =	vmul.f32 v34, v44  }
0x212: {  	v50 =	vld [tilespmem:s14+$0xFFFFFFD0];
	[tilespmem:s14+$0xFFFFFF50] =	vst v3;
	v3 =	vmul.f32 v34, v45  }
0x213: {  	v51 =	vld [tilespmem:s14+$0xFFFFFFF0];
	[tilespmem:s14+$0xFFFFFF60] =	vst v1;
	v1 =	vmul.f32 v35, v46  }
0x214: {  	[tilespmem:s14+$0xFFFFFF70] =	vst v3;
	v2 =	vmul.f32 v35, v2;
	v3 =	vld [tilespmem:s14+$0xFFFFFFE0]  }
0x215: {  	v52 =	vld [tilespmem:s14+$0x0];
	[tilespmem:s14+$0xFFFFFF80] =	vst v1;
	v1 =	vmul.f32 v35, v47  }
0x216: {  	v36 =	vld.idx.msk [tilespmem:v11+s3+$0x0], $0xffff;
	[tilespmem:s14+$0xFFFFFF90] =	vst v2;
	v2 =	vmul.f32 v35, v48  }
0x217: {  	v53 =	vld [tilespmem:s14+$0x10];
	[tilespmem:s14+$0xFFFFFFA0] =	vst v1;
	v1 =	vmul.f32 v35, v49  }
0x218: {  	v54 =	vld [tilespmem:s14+$0x20];
	[tilespmem:s14+$0xFFFFFFB0] =	vst v2;
	v2 =	vmul.f32 v35, v50  }
0x219: {  	[tilespmem:s14+$0xFFFFFFC0] =	vst v1;
	v1 =	vmul.f32 v35, v3;
	v3 =	vld [tilespmem:s14+$0x30]  }
0x21a: {  	v55 =	vld [tilespmem:s14+$0x40];
	[tilespmem:s14+$0xFFFFFFD0] =	vst v2;
	v2 =	vmul.f32 v35, v51  }
0x21b: {  	v56 =	vld [tilespmem:s14+$0x50];
	[tilespmem:s14+$0xFFFFFFE0] =	vst v1;
	v1 =	vmul.f32 v36, v52  }
0x21c: {  	v57 =	vld [tilespmem:s14+$0x60];
	[tilespmem:s14+$0xFFFFFFF0] =	vst v2;
	v2 =	vmul.f32 v36, v53  }
0x21d: {  	v58 =	vld [tilespmem:s14+$0x70];
	[tilespmem:s14+$0x0] =	vst v1;
	v1 =	vmul.f32 v36, v54  }
0x21e: {  	[tilespmem:s14+$0x10] =	vst v2;
	v2 =	vmul.f32 v36, v3;
	v3 =	vld [tilespmem:s14+$0x80]  }
0x21f: {  	v59 =	vld [tilespmem:s14+$0x90];
	[tilespmem:s14+$0x20] =	vst v1;
	v1 =	vmul.f32 v36, v55  }
0x220: {  	v60 =	vld [tilespmem:s14+$0xA0];
	[tilespmem:s14+$0x30] =	vst v2;
	v2 =	vmul.f32 v36, v56  }
0x221: {  	v61 =	vld [tilespmem:s14+$0xB0];
	[tilespmem:s14+$0x40] =	vst v1;
	v1 =	vmul.f32 v36, v57  }
0x222: {  	v62 =	vld [tilespmem:s14+$0xC0];
	[tilespmem:s14+$0x50] =	vst v2;
	v2 =	vmul.f32 v36, v58  }
0x223: {  	[tilespmem:s14+$0x60] =	vst v1;
	v1 =	vmul.f32 v37, v3;
	v3 =	vld [tilespmem:s14+$0xD0]  }
0x224: {  	v63 =	vld [tilespmem:s14+$0xE0];
	[tilespmem:s14+$0x70] =	vst v2;
	v2 =	vmul.f32 v37, v59  }
0x225: {  	[tilespmem:s14+$0x80] =	vst v1;
	v1 =	vmul.f32 v37, v60  }
0x226: {  	[tilespmem:s14+$0x90] =	vst v2;
	v2 =	vmul.f32 v37, v61  }
0x227: {  	[tilespmem:s14+$0xA0] =	vst v1;
	v1 =	vmul.f32 v37, v62  }
0x228: {  	[tilespmem:s14+$0xB0] =	vst v2;
	v2 =	vmul.f32 v37, v3  }
0x229: {  	[tilespmem:s14+$0xC0] =	vst v1;
	v1 =	vmul.f32 v37, v63  }
0x22a: {  	[tilespmem:s14+$0xD0] =	vst v2  }
0x22b: {  	[tilespmem:s14+$0xE0] =	vst v1  }
0x22c: {  	[spmem:s2] =	stream.indirect.scatter.add.f32 [tilespmem:s16], [sflag:$0x4], $0x80, s31, s18, $0xb8;
	[tilespmem:$0x1FE80] =	vst v63  }
0x22d: {  	_ =	swait.ge [sflag:s25], $0x4000  }
0x22e: {  	[sflag:s25] =	ssyncset.done $0x0  }
0x22f: {  	s9 =	sadd.s32 $0x1, s9;
	[sflag:s25] =	ssyncadd.s32 $0xFFFFC000  }
0x230: {  	p1 =	sne.s32 s9, $0x28;
	_ =	swait.ge [sflag:s0], $0x4000  }
.Ltmp5:
0x231: {  	[sflag:s0] =	ssyncset.done $0x0;
	(pc) =	sbr.rel @p1 .LBB2_4-.Ltmp5, $4  }
0x232: {  	[sflag:s0] =	ssyncadd.s32 $0xFFFFC000  }
0x233: {  	_ =	swait.ge [sflag:s1], $0x4000  }
0x234: {  	[sflag:s1] =	ssyncset.done $0x0  }
0x235: {  	[sflag:s1] =	ssyncadd.s32 $0xFFFFC000  }
0x236: {  	s8 =	stileid.u32  }
0x237: {  	[bflag:$0x0] =	sbarrier.arrive $0xFFFF;
	s8 =	sshll.u32 s8, $0x6  }
0x238: {  	s9 =	sshrl.u32 s6, $0x3;
	s10 =	rddreg [dreg:$0x7];
	s8 =	sor.u32 $0x1C07, s8  }
0x239: {  	[hbm:s10], [sflag:s8] =	dma.local [spmem:s9], $0x2700  }
0x23a: {  	_ =	swait.ge [sflag:s17], $0x2700  }
0x23b: {  	[sflag:s17] =	ssyncset.done $0x0  }
0x23c: {  	s9 =	sshrl.u32 @!p0 s11, $0x3;
	s10 =	rddreg [dreg:$0x8];
	[sflag:s17] =	ssyncadd.s32 $0xFFFFD900  }
0x23d: {  	[hbm:s10], [sflag:s8] =	dma.local @!p0 [spmem:s9], $0x100  }
0x23e: {  	s8 =	simm.s32 @!p0 $0x7  }
0x23f: {  	_ =	swait.ge @!p0 [sflag:s8], $0x100  }
0x240: {  	s7 =	sadd.s32 $0x1, s7;
	s15 =	rddreg [dreg:$0x9]  }
0x241: {  	p1 =	sne.s32 s7, s15  }
.Ltmp6:
0x242: {  	_ = 	snop;
	(pc) =	sbr.rel @p1 .LBB2_1-.Ltmp6, $3  }
0x243: {  	_ =	sdelay $0x1  }
0x244: {  	[sflag:s8] =	ssyncset.done @!p0 $0x0  }
0x245: {  	[sflag:s8] =	ssyncadd.s32 @!p0 $0xFFFFFF00  }
0x246: {  	_ =	sfence.sel $0x180000  }
0x247: {  	[bflag:$0x0] =	sbarrier.arrive $0xFFFF  }
0x248: {  	_ =	strace $0x90000047  }
0x249: {  	s0 =	stileid.u32;
	[bflag:$0x2] =	sbarrier.arrive $0xFFFF  }
0x24a: {  	p0 =	sne.s32 s0, $0x0;
	s0 =	rddreg [dreg:$0x2]  }
0x24b: {  	s0 =	sadd.s32 @!p0 $0x100000, s0  }
0x24c: {  	[sflag:s0] =	ssyncadd.tile.s32 @!p0 $0x1;
	_ =	shalt  }
.Lfunc_end2:
_tile_overlayer_lowered:
.L_overlay_start_2:
0x24d: {  	(tag) =	ssettag $0x2  }
0x24e: {  	s0 =	rddreg [dreg:$0x0];
	s2 =	stileid.u32  }
0x24f: {  	s1 =	rddreg [dreg:$0x1];
	p0 =	sne.s32 s2, $0x0  }
0x250: {  	s3 =	rddreg [dreg:$0x2];
	[bflag:$0x3] =	sbarrier.arrive $0xFFFF;
	s2 =	simm.s32 @!p0 $0x1C07  }
0x251: {  	[timem:s3], [sflag:s2] =	dma.local @!p0 [hbm:s0], s1  }
0x252: {  	s0 =	simm.s32 @!p0 $0x7  }
0x253: {  	_ =	swait.ge @!p0 [sflag:s0], s1  }
0x254: {  	s1 =	ssub.s32 @!p0 $0x0, s1;
	[sflag:s0] =	ssyncset.done @!p0 $0x0  }
0x255: {  	[sflag:s0] =	ssyncadd.s32 @!p0 s1  }
0x256: {  	[bflag:$0x3] =	sbarrier.arrive $0xFFFF  }
0x257: {  	_ =	shalt  }

</sc_bundles>
